<compile_context>
chip_gen: v7x
topology: tpu7x:2x2x1
jax: 0.10.2.dev20260603
libtpu: 0.0.44.dev20260713+nightly
codegen_flags: <defaults>
</compile_context>

<pallas_src>
import functools

import jax
import jax.numpy as jnp
from jax import lax
from jax.experimental import pallas as pl
from jax.experimental.pallas import tpu as pltpu
from jax.experimental.pallas import tpu_sc as plsc

VOCAB = 100000
DIM = 50
CTX = 200
DPAD = 64
SLABW = 128
SLAB_SHIFT = 7

ROWS_PER_TILE = 8
N_ACTIVE = CTX // ROWS_PER_TILE


def _sc_gather_pool(idx, tableT):
    info = plsc.get_sparse_core_info()
    nc = info.num_cores

    mesh = plsc.VectorSubcoreMesh(core_axis_name="c", subcore_axis_name="s")

    @functools.partial(
        pl.kernel,
        mesh=mesh,
        compiler_params=pltpu.CompilerParams(needs_layout_passes=False),
        out_type=jax.ShapeDtypeStruct((N_ACTIVE, DPAD), jnp.float32),
        scratch_types=[pltpu.VMEM((16,), jnp.int32)]
        + [pltpu.VMEM((DIM, SLABW), jnp.float32) for _ in range(ROWS_PER_TILE)]
        + [pltpu.VMEM((DPAD,), jnp.float32), pltpu.SemaphoreType.DMA],
    )
    def gather_kernel(idx_hbm, table_hbm, out_hbm, idx_v, *rest):
        slabs = rest[:ROWS_PER_TILE]
        acc_v, sem = rest[ROWS_PER_TILE:]
        wid = lax.axis_index("s") * nc + lax.axis_index("c")

        @pl.when(wid < N_ACTIVE)
        def _():
            base = wid * ROWS_PER_TILE
            pltpu.sync_copy(idx_hbm.at[pl.ds(base, ROWS_PER_TILE)],
                            idx_v.at[pl.ds(0, ROWS_PER_TILE)])
            lane = lax.iota(jnp.int32, 16)
            idxs = idx_v[...]
            rs = []
            copies = []
            for k in range(ROWS_PER_TILE):
                r = jnp.max(jnp.where(lane == k, idxs, 0))
                rs.append(r)
                t = lax.shift_right_logical(r, SLAB_SHIFT)
                copies.append(pltpu.async_copy(
                    table_hbm.at[:, pl.ds(t * SLABW, SLABW)], slabs[k], sem))
            for c in copies:
                c.wait()
            accs = [jnp.zeros((16,), jnp.float32) for _ in range(4)]
            for k in range(ROWS_PER_TILE):
                col = jnp.full((16,), rs[k] & (SLABW - 1), jnp.int32)
                for q in range(4):
                    rows = lane + (16 * q)
                    if 16 * (q + 1) > DIM:
                        valid = rows < DIM
                        rows = jnp.minimum(rows, DIM - 1)
                        g = plsc.load_gather(slabs[k], [rows, col])
                        g = jnp.where(valid, g, 0.0)
                    else:
                        g = plsc.load_gather(slabs[k], [rows, col])
                    accs[q] = accs[q] + g
            for q in range(4):
                acc_v[pl.ds(16 * q, 16)] = accs[q]
            pltpu.sync_copy(acc_v, out_hbm.at[wid])

    return gather_kernel(idx, tableT)


def _tc_head_body(g_ref, wt_ref, b_ref, out_ref):
    pooled = jnp.sum(g_ref[...], axis=0, keepdims=True) * (1.0 / CTX)
    logits = lax.dot_general(
        pooled[:, :DIM], wt_ref[...],
        (((1,), (0,)), ((), ())),
        preferred_element_type=jnp.float32,
    ) + b_ref[...]
    m = jnp.max(logits)
    lse = m + jnp.log(jnp.sum(jnp.exp(logits - m)))
    out_ref[...] = logits - lse


def _tc_head(partials, Wt, b2d, interpret=False):
    return pl.pallas_call(
        _tc_head_body,
        in_specs=[
            pl.BlockSpec(memory_space=pltpu.VMEM),
            pl.BlockSpec(memory_space=pltpu.VMEM),
            pl.BlockSpec(memory_space=pltpu.VMEM),
        ],
        out_specs=pl.BlockSpec((1, VOCAB), lambda: (0, 0)),
        out_shape=jax.ShapeDtypeStruct((1, VOCAB), jnp.float32),
        interpret=interpret,
    )(partials, Wt, b2d)


def kernel(inputs, table, W, b):
    idx = inputs.astype(jnp.int32)
    partials = _sc_gather_pool(idx, table.T)
    return _tc_head(partials, W.T, b.reshape(1, VOCAB))

# --- scband reference (transcript-rebuilt; emitter-appended) ---
"""Pipeline reference for scband-cbow-model-55044300865786 (READ-ONLY COPY).

The authoritative reference and input builder live on the scoring server;
editing this copy changes nothing except your own understanding.
"""

import jax, jax.numpy as jnp
import numpy as np

VOCAB = 100000
DIM = 50
CTX = 200

def setup_inputs(seed: int = 0) -> dict:
    key = jax.random.key(seed)
    k1, k2, k3, k4 = jax.random.split(key, 4)
    inputs = jax.random.randint(k1, (CTX,), 0, VOCAB)
    table = jax.random.normal(k2, (VOCAB, DIM), dtype=jnp.float32)
    W = jax.random.normal(k3, (VOCAB, DIM), dtype=jnp.float32) * 0.02
    b = jnp.zeros((VOCAB,), dtype=jnp.float32)
    return {"inputs": inputs, "table": table, "W": W, "b": b}

def reference(inputs, table, W, b):
    # embeds = self.embeddings(inputs)
    embeds = jnp.take(table, inputs, axis=0)  # [CTX, DIM]
    # out = torch.mean(embeds, dim=0)
    out = jnp.mean(embeds, axis=0)  # [DIM]
    # out = self.linear(out).view(1, -1)
    logits = (out @ W.T + b).reshape(1, -1)  # [1, VOCAB]
    # probability = log_softmax(out, dim=1)
    return jax.nn.log_softmax(logits, axis=1)

if __name__ == "__main__":
    import jax
    _d = setup_inputs()
    print(jax.jit(kernel)(*tuple(_d.values())))

</pallas_src>

<mosaic_0001>
#map = affine_map<(d0, d1) -> (0)>
#map1 = affine_map<(d0, d1) -> (0, 0)>
module attributes {stable_mosaic.version = 14 : i64} {
  func.func @gather_kernel(%arg0: i32, %arg1: i32, %arg2: memref<200xi32, #tpu.memory_space<hbm>>, %arg3: memref<50x100000xf32, #tpu.memory_space<hbm>>, %arg4: memref<25x64xf32, #tpu.memory_space<hbm>>, %arg5: memref<16xi32, #tpu.memory_space<vmem>>, %arg6: memref<50x128xf32, #tpu.memory_space<vmem>>, %arg7: memref<50x128xf32, #tpu.memory_space<vmem>>, %arg8: memref<50x128xf32, #tpu.memory_space<vmem>>, %arg9: memref<50x128xf32, #tpu.memory_space<vmem>>, %arg10: memref<50x128xf32, #tpu.memory_space<vmem>>, %arg11: memref<50x128xf32, #tpu.memory_space<vmem>>, %arg12: memref<50x128xf32, #tpu.memory_space<vmem>>, %arg13: memref<50x128xf32, #tpu.memory_space<vmem>>, %arg14: memref<64xf32, #tpu.memory_space<vmem>>, %arg15: memref<!tpu.dma_semaphore, #tpu.memory_space<semaphore_mem>>) attributes {dimension_semantics = [#tpu.dimension_semantics<core_parallel>, #tpu.dimension_semantics<subcore_parallel>], iteration_bounds = array<i64: 2, 16>, scalar_prefetch = 0 : i64, scratch_operands = 11 : i64, tpu.core_type = #tpu.core_type<sc_vector_subcore>, window_params = [{transform_indices = #map}, {transform_indices = #map1}, {transform_indices = #map1}]} {
    %mul3A = arith.constant 2 : i32
    %mul3A_0 = arith.muli %arg1, %mul3A : i32
    %add3A = arith.addi %mul3A_0, %arg0 : i32
    %lt3A = arith.constant 25 : i32
    %lt3A_1 = arith.cmpi slt, %add3A, %lt3A : i32
    %convert_element_type3A = arith.extui %lt3A_1 : i1 to i32
    %cond3A = arith.constant 0 : i32
    %cond3A_2 = arith.cmpi ne, %convert_element_type3A, %cond3A : i32
    scf.if %cond3A_2 {
      %mul3A_3 = arith.constant 8 : i32
      %mul3A_4 = arith.muli %add3A, %mul3A_3 : i32
      "tpu.region"() ({
        %run_scoped3A = tpu.sem_alloc : memref<!tpu.dma_semaphore, #tpu.memory_space<semaphore_mem>>
        %dma_start3A_474 = arith.constant 0 : i32
        %dma_start3A_475 = tpu.memref_slice %arg5[%dma_start3A_474] : memref<16xi32, #tpu.memory_space<vmem>> -> memref<8xi32, #tpu.memory_space<vmem>>
        %dma_start3A_476 = tpu.memref_slice %arg2[%mul3A_4] : memref<200xi32, #tpu.memory_space<hbm>> -> memref<8xi32, #tpu.memory_space<hbm>>
        %dma_start3A_477 = arith.constant 0 : i32
        %dma_start3A_478 = tpu.memref_slice %arg5[%dma_start3A_477] : memref<16xi32, #tpu.memory_space<vmem>> -> memref<8xi32, #tpu.memory_space<vmem>>
        %dma_start3A_479 = tpu.memref_slice %arg2[%mul3A_4] : memref<200xi32, #tpu.memory_space<hbm>> -> memref<8xi32, #tpu.memory_space<hbm>>
        tpu.enqueue_dma source(%dma_start3A_479 : memref<8xi32, #tpu.memory_space<hbm>>) target(%dma_start3A_478 : memref<8xi32, #tpu.memory_space<vmem>>) target_semaphore(%run_scoped3A : memref<!tpu.dma_semaphore, #tpu.memory_space<semaphore_mem>>)
        %dma_wait3A_480 = arith.constant 0 : i32
        %dma_wait3A_481 = tpu.memref_slice %arg5[%dma_wait3A_480] : memref<16xi32, #tpu.memory_space<vmem>> -> memref<8xi32, #tpu.memory_space<vmem>>
        %dma_wait3A_482 = tpu.memref_slice %arg2[%mul3A_4] : memref<200xi32, #tpu.memory_space<hbm>> -> memref<8xi32, #tpu.memory_space<hbm>>
        %dma_wait3A_483 = arith.constant 0 : i32
        %dma_wait3A_484 = tpu.memref_slice %arg5[%dma_wait3A_483] : memref<16xi32, #tpu.memory_space<vmem>> -> memref<8xi32, #tpu.memory_space<vmem>>
        %dma_wait3A_485 = tpu.memref_slice %arg2[%mul3A_4] : memref<200xi32, #tpu.memory_space<hbm>> -> memref<8xi32, #tpu.memory_space<hbm>>
        tpu.wait_dma2 semaphore(%run_scoped3A : memref<!tpu.dma_semaphore, #tpu.memory_space<semaphore_mem>>) src(%dma_wait3A_485 : memref<8xi32, #tpu.memory_space<hbm>>) dst(%dma_wait3A_484 : memref<8xi32, #tpu.memory_space<vmem>>)
        tpu.yield
      }) : () -> ()
      %iota3A = tpu.iota {dimensions = array<i32: 0>} : vector<16xi32>
      %get3A = arith.constant 0 : index
      %get3A_5 = tpu.vector_load %arg5[%get3A] {strides = array<i32>} : memref<16xi32, #tpu.memory_space<vmem>>, vector<16xi32>,
      %eq3A = arith.constant 0 : i32
      %eq3A_6 = vector.broadcast %eq3A : i32 to vector<16xi32>
      %eq3A_7 = arith.cmpi eq, %iota3A, %eq3A_6 : vector<16xi32>
      %jit3A = arith.constant 0 : i32
      %broadcast_in_dim3A = vector.broadcast %jit3A : i32 to vector<16xi32>
      %select_n3A = arith.select %eq3A_7, %get3A_5, %broadcast_in_dim3A : vector<16xi1>, vector<16xi32>
      %reduce_max3A = arith.constant true
      %reduce_max3A_8 = vector.broadcast %reduce_max3A : i1 to vector<16xi1>
      %reduce_max3A_9 = arith.constant -2147483648 : i32
      %reduce_max3A_10 = vector.broadcast %reduce_max3A_9 : i32 to vector<16xi32>
      %reduce_max3A_11 = arith.xori %select_n3A, %reduce_max3A_10 : vector<16xi32>
      %reduce_max3A_12 = tpu.scan <max>, %reduce_max3A_11 masked %reduce_max3A_8 : vector<16xi32>, vector<16xi1> -> vector<16xi32>
      %reduce_max3A_13 = arith.xori %reduce_max3A_12, %reduce_max3A_10 : vector<16xi32>
      %reduce_max3A_14 = vector.extract %reduce_max3A_13[15] : i32 from vector<16xi32>
      %shift_right_logical3A = arith.constant 7 : i32
      %shift_right_logical3A_15 = arith.shrui %reduce_max3A_14, %shift_right_logical3A : i32
      %mul3A_16 = arith.constant 128 : i32
      %mul3A_17 = arith.muli %shift_right_logical3A_15, %mul3A_16 : i32
      %dma_start3A = arith.constant 0 : i32
      %dma_start3A_18 = tpu.memref_slice %arg3[%dma_start3A, %mul3A_17] : memref<50x100000xf32, #tpu.memory_space<hbm>> -> memref<50x128xf32, #tpu.memory_space<hbm>>
      %dma_start3A_19 = arith.constant 0 : i32
      %dma_start3A_20 = tpu.memref_slice %arg3[%dma_start3A_19, %mul3A_17] : memref<50x100000xf32, #tpu.memory_space<hbm>> -> memref<50x128xf32, #tpu.memory_space<hbm>>
      tpu.enqueue_dma source(%dma_start3A_20 : memref<50x128xf32, #tpu.memory_space<hbm>>) target(%arg6 : memref<50x128xf32, #tpu.memory_space<vmem>>) target_semaphore(%arg15 : memref<!tpu.dma_semaphore, #tpu.memory_space<semaphore_mem>>)
      %eq3A_21 = arith.constant 1 : i32
      %eq3A_22 = vector.broadcast %eq3A_21 : i32 to vector<16xi32>
      %eq3A_23 = arith.cmpi eq, %iota3A, %eq3A_22 : vector<16xi32>
      %jit3A_24 = arith.constant 0 : i32
      %broadcast_in_dim3A_25 = vector.broadcast %jit3A_24 : i32 to vector<16xi32>
      %select_n3A_26 = arith.select %eq3A_23, %get3A_5, %broadcast_in_dim3A_25 : vector<16xi1>, vector<16xi32>
      %reduce_max3A_27 = arith.constant true
      %reduce_max3A_28 = vector.broadcast %reduce_max3A_27 : i1 to vector<16xi1>
      %reduce_max3A_29 = arith.constant -2147483648 : i32
      %reduce_max3A_30 = vector.broadcast %reduce_max3A_29 : i32 to vector<16xi32>
      %reduce_max3A_31 = arith.xori %select_n3A_26, %reduce_max3A_30 : vector<16xi32>
      %reduce_max3A_32 = tpu.scan <max>, %reduce_max3A_31 masked %reduce_max3A_28 : vector<16xi32>, vector<16xi1> -> vector<16xi32>
      %reduce_max3A_33 = arith.xori %reduce_max3A_32, %reduce_max3A_30 : vector<16xi32>
      %reduce_max3A_34 = vector.extract %reduce_max3A_33[15] : i32 from vector<16xi32>
      %shift_right_logical3A_35 = arith.constant 7 : i32
      %shift_right_logical3A_36 = arith.shrui %reduce_max3A_34, %shift_right_logical3A_35 : i32
      %mul3A_37 = arith.constant 128 : i32
      %mul3A_38 = arith.muli %shift_right_logical3A_36, %mul3A_37 : i32
      %dma_start3A_39 = arith.constant 0 : i32
      %dma_start3A_40 = tpu.memref_slice %arg3[%dma_start3A_39, %mul3A_38] : memref<50x100000xf32, #tpu.memory_space<hbm>> -> memref<50x128xf32, #tpu.memory_space<hbm>>
      %dma_start3A_41 = arith.constant 0 : i32
      %dma_start3A_42 = tpu.memref_slice %arg3[%dma_start3A_41, %mul3A_38] : memref<50x100000xf32, #tpu.memory_space<hbm>> -> memref<50x128xf32, #tpu.memory_space<hbm>>
      tpu.enqueue_dma source(%dma_start3A_42 : memref<50x128xf32, #tpu.memory_space<hbm>>) target(%arg7 : memref<50x128xf32, #tpu.memory_space<vmem>>) target_semaphore(%arg15 : memref<!tpu.dma_semaphore, #tpu.memory_space<semaphore_mem>>)
      %eq3A_43 = arith.constant 2 : i32
      %eq3A_44 = vector.broadcast %eq3A_43 : i32 to vector<16xi32>
      %eq3A_45 = arith.cmpi eq, %iota3A, %eq3A_44 : vector<16xi32>
      %jit3A_46 = arith.constant 0 : i32
      %broadcast_in_dim3A_47 = vector.broadcast %jit3A_46 : i32 to vector<16xi32>
      %select_n3A_48 = arith.select %eq3A_45, %get3A_5, %broadcast_in_dim3A_47 : vector<16xi1>, vector<16xi32>
      %reduce_max3A_49 = arith.constant true
      %reduce_max3A_50 = vector.broadcast %reduce_max3A_49 : i1 to vector<16xi1>
      %reduce_max3A_51 = arith.constant -2147483648 : i32
      %reduce_max3A_52 = vector.broadcast %reduce_max3A_51 : i32 to vector<16xi32>
      %reduce_max3A_53 = arith.xori %select_n3A_48, %reduce_max3A_52 : vector<16xi32>
      %reduce_max3A_54 = tpu.scan <max>, %reduce_max3A_53 masked %reduce_max3A_50 : vector<16xi32>, vector<16xi1> -> vector<16xi32>
      %reduce_max3A_55 = arith.xori %reduce_max3A_54, %reduce_max3A_52 : vector<16xi32>
      %reduce_max3A_56 = vector.extract %reduce_max3A_55[15] : i32 from vector<16xi32>
      %shift_right_logical3A_57 = arith.constant 7 : i32
      %shift_right_logical3A_58 = arith.shrui %reduce_max3A_56, %shift_right_logical3A_57 : i32
      %mul3A_59 = arith.constant 128 : i32
      %mul3A_60 = arith.muli %shift_right_logical3A_58, %mul3A_59 : i32
      %dma_start3A_61 = arith.constant 0 : i32
      %dma_start3A_62 = tpu.memref_slice %arg3[%dma_start3A_61, %mul3A_60] : memref<50x100000xf32, #tpu.memory_space<hbm>> -> memref<50x128xf32, #tpu.memory_space<hbm>>
      %dma_start3A_63 = arith.constant 0 : i32
      %dma_start3A_64 = tpu.memref_slice %arg3[%dma_start3A_63, %mul3A_60] : memref<50x100000xf32, #tpu.memory_space<hbm>> -> memref<50x128xf32, #tpu.memory_space<hbm>>
      tpu.enqueue_dma source(%dma_start3A_64 : memref<50x128xf32, #tpu.memory_space<hbm>>) target(%arg8 : memref<50x128xf32, #tpu.memory_space<vmem>>) target_semaphore(%arg15 : memref<!tpu.dma_semaphore, #tpu.memory_space<semaphore_mem>>)
      %eq3A_65 = arith.constant 3 : i32
      %eq3A_66 = vector.broadcast %eq3A_65 : i32 to vector<16xi32>
      %eq3A_67 = arith.cmpi eq, %iota3A, %eq3A_66 : vector<16xi32>
      %jit3A_68 = arith.constant 0 : i32
      %broadcast_in_dim3A_69 = vector.broadcast %jit3A_68 : i32 to vector<16xi32>
      %select_n3A_70 = arith.select %eq3A_67, %get3A_5, %broadcast_in_dim3A_69 : vector<16xi1>, vector<16xi32>
      %reduce_max3A_71 = arith.constant true
      %reduce_max3A_72 = vector.broadcast %reduce_max3A_71 : i1 to vector<16xi1>
      %reduce_max3A_73 = arith.constant -2147483648 : i32
      %reduce_max3A_74 = vector.broadcast %reduce_max3A_73 : i32 to vector<16xi32>
      %reduce_max3A_75 = arith.xori %select_n3A_70, %reduce_max3A_74 : vector<16xi32>
      %reduce_max3A_76 = tpu.scan <max>, %reduce_max3A_75 masked %reduce_max3A_72 : vector<16xi32>, vector<16xi1> -> vector<16xi32>
      %reduce_max3A_77 = arith.xori %reduce_max3A_76, %reduce_max3A_74 : vector<16xi32>
      %reduce_max3A_78 = vector.extract %reduce_max3A_77[15] : i32 from vector<16xi32>
      %shift_right_logical3A_79 = arith.constant 7 : i32
      %shift_right_logical3A_80 = arith.shrui %reduce_max3A_78, %shift_right_logical3A_79 : i32
      %mul3A_81 = arith.constant 128 : i32
      %mul3A_82 = arith.muli %shift_right_logical3A_80, %mul3A_81 : i32
      %dma_start3A_83 = arith.constant 0 : i32
      %dma_start3A_84 = tpu.memref_slice %arg3[%dma_start3A_83, %mul3A_82] : memref<50x100000xf32, #tpu.memory_space<hbm>> -> memref<50x128xf32, #tpu.memory_space<hbm>>
      %dma_start3A_85 = arith.constant 0 : i32
      %dma_start3A_86 = tpu.memref_slice %arg3[%dma_start3A_85, %mul3A_82] : memref<50x100000xf32, #tpu.memory_space<hbm>> -> memref<50x128xf32, #tpu.memory_space<hbm>>
      tpu.enqueue_dma source(%dma_start3A_86 : memref<50x128xf32, #tpu.memory_space<hbm>>) target(%arg9 : memref<50x128xf32, #tpu.memory_space<vmem>>) target_semaphore(%arg15 : memref<!tpu.dma_semaphore, #tpu.memory_space<semaphore_mem>>)
      %eq3A_87 = arith.constant 4 : i32
      %eq3A_88 = vector.broadcast %eq3A_87 : i32 to vector<16xi32>
      %eq3A_89 = arith.cmpi eq, %iota3A, %eq3A_88 : vector<16xi32>
      %jit3A_90 = arith.constant 0 : i32
      %broadcast_in_dim3A_91 = vector.broadcast %jit3A_90 : i32 to vector<16xi32>
      %select_n3A_92 = arith.select %eq3A_89, %get3A_5, %broadcast_in_dim3A_91 : vector<16xi1>, vector<16xi32>
      %reduce_max3A_93 = arith.constant true
      %reduce_max3A_94 = vector.broadcast %reduce_max3A_93 : i1 to vector<16xi1>
      %reduce_max3A_95 = arith.constant -2147483648 : i32
      %reduce_max3A_96 = vector.broadcast %reduce_max3A_95 : i32 to vector<16xi32>
      %reduce_max3A_97 = arith.xori %select_n3A_92, %reduce_max3A_96 : vector<16xi32>
      %reduce_max3A_98 = tpu.scan <max>, %reduce_max3A_97 masked %reduce_max3A_94 : vector<16xi32>, vector<16xi1> -> vector<16xi32>
      %reduce_max3A_99 = arith.xori %reduce_max3A_98, %reduce_max3A_96 : vector<16xi32>
      %reduce_max3A_100 = vector.extract %reduce_max3A_99[15] : i32 from vector<16xi32>
      %shift_right_logical3A_101 = arith.constant 7 : i32
      %shift_right_logical3A_102 = arith.shrui %reduce_max3A_100, %shift_right_logical3A_101 : i32
      %mul3A_103 = arith.constant 128 : i32
      %mul3A_104 = arith.muli %shift_right_logical3A_102, %mul3A_103 : i32
      %dma_start3A_105 = arith.constant 0 : i32
      %dma_start3A_106 = tpu.memref_slice %arg3[%dma_start3A_105, %mul3A_104] : memref<50x100000xf32, #tpu.memory_space<hbm>> -> memref<50x128xf32, #tpu.memory_space<hbm>>
      %dma_start3A_107 = arith.constant 0 : i32
      %dma_start3A_108 = tpu.memref_slice %arg3[%dma_start3A_107, %mul3A_104] : memref<50x100000xf32, #tpu.memory_space<hbm>> -> memref<50x128xf32, #tpu.memory_space<hbm>>
      tpu.enqueue_dma source(%dma_start3A_108 : memref<50x128xf32, #tpu.memory_space<hbm>>) target(%arg10 : memref<50x128xf32, #tpu.memory_space<vmem>>) target_semaphore(%arg15 : memref<!tpu.dma_semaphore, #tpu.memory_space<semaphore_mem>>)
      %eq3A_109 = arith.constant 5 : i32
      %eq3A_110 = vector.broadcast %eq3A_109 : i32 to vector<16xi32>
      %eq3A_111 = arith.cmpi eq, %iota3A, %eq3A_110 : vector<16xi32>
      %jit3A_112 = arith.constant 0 : i32
      %broadcast_in_dim3A_113 = vector.broadcast %jit3A_112 : i32 to vector<16xi32>
      %select_n3A_114 = arith.select %eq3A_111, %get3A_5, %broadcast_in_dim3A_113 : vector<16xi1>, vector<16xi32>
      %reduce_max3A_115 = arith.constant true
      %reduce_max3A_116 = vector.broadcast %reduce_max3A_115 : i1 to vector<16xi1>
      %reduce_max3A_117 = arith.constant -2147483648 : i32
      %reduce_max3A_118 = vector.broadcast %reduce_max3A_117 : i32 to vector<16xi32>
      %reduce_max3A_119 = arith.xori %select_n3A_114, %reduce_max3A_118 : vector<16xi32>
      %reduce_max3A_120 = tpu.scan <max>, %reduce_max3A_119 masked %reduce_max3A_116 : vector<16xi32>, vector<16xi1> -> vector<16xi32>
      %reduce_max3A_121 = arith.xori %reduce_max3A_120, %reduce_max3A_118 : vector<16xi32>
      %reduce_max3A_122 = vector.extract %reduce_max3A_121[15] : i32 from vector<16xi32>
      %shift_right_logical3A_123 = arith.constant 7 : i32
      %shift_right_logical3A_124 = arith.shrui %reduce_max3A_122, %shift_right_logical3A_123 : i32
      %mul3A_125 = arith.constant 128 : i32
      %mul3A_126 = arith.muli %shift_right_logical3A_124, %mul3A_125 : i32
      %dma_start3A_127 = arith.constant 0 : i32
      %dma_start3A_128 = tpu.memref_slice %arg3[%dma_start3A_127, %mul3A_126] : memref<50x100000xf32, #tpu.memory_space<hbm>> -> memref<50x128xf32, #tpu.memory_space<hbm>>
      %dma_start3A_129 = arith.constant 0 : i32
      %dma_start3A_130 = tpu.memref_slice %arg3[%dma_start3A_129, %mul3A_126] : memref<50x100000xf32, #tpu.memory_space<hbm>> -> memref<50x128xf32, #tpu.memory_space<hbm>>
      tpu.enqueue_dma source(%dma_start3A_130 : memref<50x128xf32, #tpu.memory_space<hbm>>) target(%arg11 : memref<50x128xf32, #tpu.memory_space<vmem>>) target_semaphore(%arg15 : memref<!tpu.dma_semaphore, #tpu.memory_space<semaphore_mem>>)
      %eq3A_131 = arith.constant 6 : i32
      %eq3A_132 = vector.broadcast %eq3A_131 : i32 to vector<16xi32>
      %eq3A_133 = arith.cmpi eq, %iota3A, %eq3A_132 : vector<16xi32>
      %jit3A_134 = arith.constant 0 : i32
      %broadcast_in_dim3A_135 = vector.broadcast %jit3A_134 : i32 to vector<16xi32>
      %select_n3A_136 = arith.select %eq3A_133, %get3A_5, %broadcast_in_dim3A_135 : vector<16xi1>, vector<16xi32>
      %reduce_max3A_137 = arith.constant true
      %reduce_max3A_138 = vector.broadcast %reduce_max3A_137 : i1 to vector<16xi1>
      %reduce_max3A_139 = arith.constant -2147483648 : i32
      %reduce_max3A_140 = vector.broadcast %reduce_max3A_139 : i32 to vector<16xi32>
      %reduce_max3A_141 = arith.xori %select_n3A_136, %reduce_max3A_140 : vector<16xi32>
      %reduce_max3A_142 = tpu.scan <max>, %reduce_max3A_141 masked %reduce_max3A_138 : vector<16xi32>, vector<16xi1> -> vector<16xi32>
      %reduce_max3A_143 = arith.xori %reduce_max3A_142, %reduce_max3A_140 : vector<16xi32>
      %reduce_max3A_144 = vector.extract %reduce_max3A_143[15] : i32 from vector<16xi32>
      %shift_right_logical3A_145 = arith.constant 7 : i32
      %shift_right_logical3A_146 = arith.shrui %reduce_max3A_144, %shift_right_logical3A_145 : i32
      %mul3A_147 = arith.constant 128 : i32
      %mul3A_148 = arith.muli %shift_right_logical3A_146, %mul3A_147 : i32
      %dma_start3A_149 = arith.constant 0 : i32
      %dma_start3A_150 = tpu.memref_slice %arg3[%dma_start3A_149, %mul3A_148] : memref<50x100000xf32, #tpu.memory_space<hbm>> -> memref<50x128xf32, #tpu.memory_space<hbm>>
      %dma_start3A_151 = arith.constant 0 : i32
      %dma_start3A_152 = tpu.memref_slice %arg3[%dma_start3A_151, %mul3A_148] : memref<50x100000xf32, #tpu.memory_space<hbm>> -> memref<50x128xf32, #tpu.memory_space<hbm>>
      tpu.enqueue_dma source(%dma_start3A_152 : memref<50x128xf32, #tpu.memory_space<hbm>>) target(%arg12 : memref<50x128xf32, #tpu.memory_space<vmem>>) target_semaphore(%arg15 : memref<!tpu.dma_semaphore, #tpu.memory_space<semaphore_mem>>)
      %eq3A_153 = arith.constant 7 : i32
      %eq3A_154 = vector.broadcast %eq3A_153 : i32 to vector<16xi32>
      %eq3A_155 = arith.cmpi eq, %iota3A, %eq3A_154 : vector<16xi32>
      %jit3A_156 = arith.constant 0 : i32
      %broadcast_in_dim3A_157 = vector.broadcast %jit3A_156 : i32 to vector<16xi32>
      %select_n3A_158 = arith.select %eq3A_155, %get3A_5, %broadcast_in_dim3A_157 : vector<16xi1>, vector<16xi32>
      %reduce_max3A_159 = arith.constant true
      %reduce_max3A_160 = vector.broadcast %reduce_max3A_159 : i1 to vector<16xi1>
      %reduce_max3A_161 = arith.constant -2147483648 : i32
      %reduce_max3A_162 = vector.broadcast %reduce_max3A_161 : i32 to vector<16xi32>
      %reduce_max3A_163 = arith.xori %select_n3A_158, %reduce_max3A_162 : vector<16xi32>
      %reduce_max3A_164 = tpu.scan <max>, %reduce_max3A_163 masked %reduce_max3A_160 : vector<16xi32>, vector<16xi1> -> vector<16xi32>
      %reduce_max3A_165 = arith.xori %reduce_max3A_164, %reduce_max3A_162 : vector<16xi32>
      %reduce_max3A_166 = vector.extract %reduce_max3A_165[15] : i32 from vector<16xi32>
      %shift_right_logical3A_167 = arith.constant 7 : i32
      %shift_right_logical3A_168 = arith.shrui %reduce_max3A_166, %shift_right_logical3A_167 : i32
      %mul3A_169 = arith.constant 128 : i32
      %mul3A_170 = arith.muli %shift_right_logical3A_168, %mul3A_169 : i32
      %dma_start3A_171 = arith.constant 0 : i32
      %dma_start3A_172 = tpu.memref_slice %arg3[%dma_start3A_171, %mul3A_170] : memref<50x100000xf32, #tpu.memory_space<hbm>> -> memref<50x128xf32, #tpu.memory_space<hbm>>
      %dma_start3A_173 = arith.constant 0 : i32
      %dma_start3A_174 = tpu.memref_slice %arg3[%dma_start3A_173, %mul3A_170] : memref<50x100000xf32, #tpu.memory_space<hbm>> -> memref<50x128xf32, #tpu.memory_space<hbm>>
      tpu.enqueue_dma source(%dma_start3A_174 : memref<50x128xf32, #tpu.memory_space<hbm>>) target(%arg13 : memref<50x128xf32, #tpu.memory_space<vmem>>) target_semaphore(%arg15 : memref<!tpu.dma_semaphore, #tpu.memory_space<semaphore_mem>>)
      %dma_wait3A = arith.constant 0 : i32
      %dma_wait3A_175 = tpu.memref_slice %arg3[%dma_wait3A, %mul3A_17] : memref<50x100000xf32, #tpu.memory_space<hbm>> -> memref<50x128xf32, #tpu.memory_space<hbm>>
      %dma_wait3A_176 = arith.constant 0 : i32
      %dma_wait3A_177 = tpu.memref_slice %arg3[%dma_wait3A_176, %mul3A_17] : memref<50x100000xf32, #tpu.memory_space<hbm>> -> memref<50x128xf32, #tpu.memory_space<hbm>>
      tpu.wait_dma2 semaphore(%arg15 : memref<!tpu.dma_semaphore, #tpu.memory_space<semaphore_mem>>) src(%dma_wait3A_177 : memref<50x128xf32, #tpu.memory_space<hbm>>) dst(%arg6 : memref<50x128xf32, #tpu.memory_space<vmem>>)
      %dma_wait3A_178 = arith.constant 0 : i32
      %dma_wait3A_179 = tpu.memref_slice %arg3[%dma_wait3A_178, %mul3A_38] : memref<50x100000xf32, #tpu.memory_space<hbm>> -> memref<50x128xf32, #tpu.memory_space<hbm>>
      %dma_wait3A_180 = arith.constant 0 : i32
      %dma_wait3A_181 = tpu.memref_slice %arg3[%dma_wait3A_180, %mul3A_38] : memref<50x100000xf32, #tpu.memory_space<hbm>> -> memref<50x128xf32, #tpu.memory_space<hbm>>
      tpu.wait_dma2 semaphore(%arg15 : memref<!tpu.dma_semaphore, #tpu.memory_space<semaphore_mem>>) src(%dma_wait3A_181 : memref<50x128xf32, #tpu.memory_space<hbm>>) dst(%arg7 : memref<50x128xf32, #tpu.memory_space<vmem>>)
      %dma_wait3A_182 = arith.constant 0 : i32
      %dma_wait3A_183 = tpu.memref_slice %arg3[%dma_wait3A_182, %mul3A_60] : memref<50x100000xf32, #tpu.memory_space<hbm>> -> memref<50x128xf32, #tpu.memory_space<hbm>>
      %dma_wait3A_184 = arith.constant 0 : i32
      %dma_wait3A_185 = tpu.memref_slice %arg3[%dma_wait3A_184, %mul3A_60] : memref<50x100000xf32, #tpu.memory_space<hbm>> -> memref<50x128xf32, #tpu.memory_space<hbm>>
      tpu.wait_dma2 semaphore(%arg15 : memref<!tpu.dma_semaphore, #tpu.memory_space<semaphore_mem>>) src(%dma_wait3A_185 : memref<50x128xf32, #tpu.memory_space<hbm>>) dst(%arg8 : memref<50x128xf32, #tpu.memory_space<vmem>>)
      %dma_wait3A_186 = arith.constant 0 : i32
      %dma_wait3A_187 = tpu.memref_slice %arg3[%dma_wait3A_186, %mul3A_82] : memref<50x100000xf32, #tpu.memory_space<hbm>> -> memref<50x128xf32, #tpu.memory_space<hbm>>
      %dma_wait3A_188 = arith.constant 0 : i32
      %dma_wait3A_189 = tpu.memref_slice %arg3[%dma_wait3A_188, %mul3A_82] : memref<50x100000xf32, #tpu.memory_space<hbm>> -> memref<50x128xf32, #tpu.memory_space<hbm>>
      tpu.wait_dma2 semaphore(%arg15 : memref<!tpu.dma_semaphore, #tpu.memory_space<semaphore_mem>>) src(%dma_wait3A_189 : memref<50x128xf32, #tpu.memory_space<hbm>>) dst(%arg9 : memref<50x128xf32, #tpu.memory_space<vmem>>)
      %dma_wait3A_190 = arith.constant 0 : i32
      %dma_wait3A_191 = tpu.memref_slice %arg3[%dma_wait3A_190, %mul3A_104] : memref<50x100000xf32, #tpu.memory_space<hbm>> -> memref<50x128xf32, #tpu.memory_space<hbm>>
      %dma_wait3A_192 = arith.constant 0 : i32
      %dma_wait3A_193 = tpu.memref_slice %arg3[%dma_wait3A_192, %mul3A_104] : memref<50x100000xf32, #tpu.memory_space<hbm>> -> memref<50x128xf32, #tpu.memory_space<hbm>>
      tpu.wait_dma2 semaphore(%arg15 : memref<!tpu.dma_semaphore, #tpu.memory_space<semaphore_mem>>) src(%dma_wait3A_193 : memref<50x128xf32, #tpu.memory_space<hbm>>) dst(%arg10 : memref<50x128xf32, #tpu.memory_space<vmem>>)
      %dma_wait3A_194 = arith.constant 0 : i32
      %dma_wait3A_195 = tpu.memref_slice %arg3[%dma_wait3A_194, %mul3A_126] : memref<50x100000xf32, #tpu.memory_space<hbm>> -> memref<50x128xf32, #tpu.memory_space<hbm>>
      %dma_wait3A_196 = arith.constant 0 : i32
      %dma_wait3A_197 = tpu.memref_slice %arg3[%dma_wait3A_196, %mul3A_126] : memref<50x100000xf32, #tpu.memory_space<hbm>> -> memref<50x128xf32, #tpu.memory_space<hbm>>
      tpu.wait_dma2 semaphore(%arg15 : memref<!tpu.dma_semaphore, #tpu.memory_space<semaphore_mem>>) src(%dma_wait3A_197 : memref<50x128xf32, #tpu.memory_space<hbm>>) dst(%arg11 : memref<50x128xf32, #tpu.memory_space<vmem>>)
      %dma_wait3A_198 = arith.constant 0 : i32
      %dma_wait3A_199 = tpu.memref_slice %arg3[%dma_wait3A_198, %mul3A_148] : memref<50x100000xf32, #tpu.memory_space<hbm>> -> memref<50x128xf32, #tpu.memory_space<hbm>>
      %dma_wait3A_200 = arith.constant 0 : i32
      %dma_wait3A_201 = tpu.memref_slice %arg3[%dma_wait3A_200, %mul3A_148] : memref<50x100000xf32, #tpu.memory_space<hbm>> -> memref<50x128xf32, #tpu.memory_space<hbm>>
      tpu.wait_dma2 semaphore(%arg15 : memref<!tpu.dma_semaphore, #tpu.memory_space<semaphore_mem>>) src(%dma_wait3A_201 : memref<50x128xf32, #tpu.memory_space<hbm>>) dst(%arg12 : memref<50x128xf32, #tpu.memory_space<vmem>>)
      %dma_wait3A_202 = arith.constant 0 : i32
      %dma_wait3A_203 = tpu.memref_slice %arg3[%dma_wait3A_202, %mul3A_170] : memref<50x100000xf32, #tpu.memory_space<hbm>> -> memref<50x128xf32, #tpu.memory_space<hbm>>
      %dma_wait3A_204 = arith.constant 0 : i32
      %dma_wait3A_205 = tpu.memref_slice %arg3[%dma_wait3A_204, %mul3A_170] : memref<50x100000xf32, #tpu.memory_space<hbm>> -> memref<50x128xf32, #tpu.memory_space<hbm>>
      tpu.wait_dma2 semaphore(%arg15 : memref<!tpu.dma_semaphore, #tpu.memory_space<semaphore_mem>>) src(%dma_wait3A_205 : memref<50x128xf32, #tpu.memory_space<hbm>>) dst(%arg13 : memref<50x128xf32, #tpu.memory_space<vmem>>)
      %broadcast_in_dim3A_206 = arith.constant 0.000000e+00 : f32
      %broadcast_in_dim3A_207 = vector.broadcast %broadcast_in_dim3A_206 : f32 to vector<16xf32>
      %broadcast_in_dim3A_208 = arith.constant 0.000000e+00 : f32
      %broadcast_in_dim3A_209 = vector.broadcast %broadcast_in_dim3A_208 : f32 to vector<16xf32>
      %broadcast_in_dim3A_210 = arith.constant 0.000000e+00 : f32
      %broadcast_in_dim3A_211 = vector.broadcast %broadcast_in_dim3A_210 : f32 to vector<16xf32>
      %broadcast_in_dim3A_212 = arith.constant 0.000000e+00 : f32
      %broadcast_in_dim3A_213 = vector.broadcast %broadcast_in_dim3A_212 : f32 to vector<16xf32>
      %and3A = arith.constant 127 : i32
      %and3A_214 = arith.andi %reduce_max3A_14, %and3A : i32
      %broadcast_in_dim3A_215 = vector.broadcast %and3A_214 : i32 to vector<16xi32>
      %add3A_216 = arith.constant 0 : i32
      %add3A_217 = vector.broadcast %add3A_216 : i32 to vector<16xi32>
      %add3A_218 = arith.addi %iota3A, %add3A_217 : vector<16xi32>
      %gather3A = tpu.vector_load_idx %arg6[%add3A_218, %broadcast_in_dim3A_215] : memref<50x128xf32, #tpu.memory_space<vmem>>[vector<16xi32>, vector<16xi32>], vector<16xf32>,
      %add3A_219 = arith.addf %broadcast_in_dim3A_207, %gather3A : vector<16xf32>
      %add3A_220 = arith.constant 16 : i32
      %add3A_221 = vector.broadcast %add3A_220 : i32 to vector<16xi32>
      %add3A_222 = arith.addi %iota3A, %add3A_221 : vector<16xi32>
      %gather3A_223 = tpu.vector_load_idx %arg6[%add3A_222, %broadcast_in_dim3A_215] : memref<50x128xf32, #tpu.memory_space<vmem>>[vector<16xi32>, vector<16xi32>], vector<16xf32>,
      %add3A_224 = arith.addf %broadcast_in_dim3A_209, %gather3A_223 : vector<16xf32>
      %add3A_225 = arith.constant 32 : i32
      %add3A_226 = vector.broadcast %add3A_225 : i32 to vector<16xi32>
      %add3A_227 = arith.addi %iota3A, %add3A_226 : vector<16xi32>
      %gather3A_228 = tpu.vector_load_idx %arg6[%add3A_227, %broadcast_in_dim3A_215] : memref<50x128xf32, #tpu.memory_space<vmem>>[vector<16xi32>, vector<16xi32>], vector<16xf32>,
      %add3A_229 = arith.addf %broadcast_in_dim3A_211, %gather3A_228 : vector<16xf32>
      %add3A_230 = arith.constant 48 : i32
      %add3A_231 = vector.broadcast %add3A_230 : i32 to vector<16xi32>
      %add3A_232 = arith.addi %iota3A, %add3A_231 : vector<16xi32>
      %lt3A_233 = arith.constant 50 : i32
      %lt3A_234 = vector.broadcast %lt3A_233 : i32 to vector<16xi32>
      %lt3A_235 = arith.cmpi slt, %add3A_232, %lt3A_234 : vector<16xi32>
      %min3A = arith.constant 49 : i32
      %min3A_236 = vector.broadcast %min3A : i32 to vector<16xi32>
      %min3A_237 = arith.minsi %add3A_232, %min3A_236 : vector<16xi32>
      %gather3A_238 = tpu.vector_load_idx %arg6[%min3A_237, %broadcast_in_dim3A_215] : memref<50x128xf32, #tpu.memory_space<vmem>>[vector<16xi32>, vector<16xi32>], vector<16xf32>,
      %jit3A_239 = arith.constant 0.000000e+00 : f32
      %broadcast_in_dim3A_240 = vector.broadcast %jit3A_239 : f32 to vector<16xf32>
      %select_n3A_241 = arith.select %lt3A_235, %gather3A_238, %broadcast_in_dim3A_240 : vector<16xi1>, vector<16xf32>
      %add3A_242 = arith.addf %broadcast_in_dim3A_213, %select_n3A_241 : vector<16xf32>
      %and3A_243 = arith.constant 127 : i32
      %and3A_244 = arith.andi %reduce_max3A_34, %and3A_243 : i32
      %broadcast_in_dim3A_245 = vector.broadcast %and3A_244 : i32 to vector<16xi32>
      %add3A_246 = arith.constant 0 : i32
      %add3A_247 = vector.broadcast %add3A_246 : i32 to vector<16xi32>
      %add3A_248 = arith.addi %iota3A, %add3A_247 : vector<16xi32>
      %gather3A_249 = tpu.vector_load_idx %arg7[%add3A_248, %broadcast_in_dim3A_245] : memref<50x128xf32, #tpu.memory_space<vmem>>[vector<16xi32>, vector<16xi32>], vector<16xf32>,
      %add3A_250 = arith.addf %add3A_219, %gather3A_249 : vector<16xf32>
      %add3A_251 = arith.constant 16 : i32
      %add3A_252 = vector.broadcast %add3A_251 : i32 to vector<16xi32>
      %add3A_253 = arith.addi %iota3A, %add3A_252 : vector<16xi32>
      %gather3A_254 = tpu.vector_load_idx %arg7[%add3A_253, %broadcast_in_dim3A_245] : memref<50x128xf32, #tpu.memory_space<vmem>>[vector<16xi32>, vector<16xi32>], vector<16xf32>,
      %add3A_255 = arith.addf %add3A_224, %gather3A_254 : vector<16xf32>
      %add3A_256 = arith.constant 32 : i32
      %add3A_257 = vector.broadcast %add3A_256 : i32 to vector<16xi32>
      %add3A_258 = arith.addi %iota3A, %add3A_257 : vector<16xi32>
      %gather3A_259 = tpu.vector_load_idx %arg7[%add3A_258, %broadcast_in_dim3A_245] : memref<50x128xf32, #tpu.memory_space<vmem>>[vector<16xi32>, vector<16xi32>], vector<16xf32>,
      %add3A_260 = arith.addf %add3A_229, %gather3A_259 : vector<16xf32>
      %add3A_261 = arith.constant 48 : i32
      %add3A_262 = vector.broadcast %add3A_261 : i32 to vector<16xi32>
      %add3A_263 = arith.addi %iota3A, %add3A_262 : vector<16xi32>
      %lt3A_264 = arith.constant 50 : i32
      %lt3A_265 = vector.broadcast %lt3A_264 : i32 to vector<16xi32>
      %lt3A_266 = arith.cmpi slt, %add3A_263, %lt3A_265 : vector<16xi32>
      %min3A_267 = arith.constant 49 : i32
      %min3A_268 = vector.broadcast %min3A_267 : i32 to vector<16xi32>
      %min3A_269 = arith.minsi %add3A_263, %min3A_268 : vector<16xi32>
      %gather3A_270 = tpu.vector_load_idx %arg7[%min3A_269, %broadcast_in_dim3A_245] : memref<50x128xf32, #tpu.memory_space<vmem>>[vector<16xi32>, vector<16xi32>], vector<16xf32>,
      %jit3A_271 = arith.constant 0.000000e+00 : f32
      %broadcast_in_dim3A_272 = vector.broadcast %jit3A_271 : f32 to vector<16xf32>
      %select_n3A_273 = arith.select %lt3A_266, %gather3A_270, %broadcast_in_dim3A_272 : vector<16xi1>, vector<16xf32>
      %add3A_274 = arith.addf %add3A_242, %select_n3A_273 : vector<16xf32>
      %and3A_275 = arith.constant 127 : i32
      %and3A_276 = arith.andi %reduce_max3A_56, %and3A_275 : i32
      %broadcast_in_dim3A_277 = vector.broadcast %and3A_276 : i32 to vector<16xi32>
      %add3A_278 = arith.constant 0 : i32
      %add3A_279 = vector.broadcast %add3A_278 : i32 to vector<16xi32>
      %add3A_280 = arith.addi %iota3A, %add3A_279 : vector<16xi32>
      %gather3A_281 = tpu.vector_load_idx %arg8[%add3A_280, %broadcast_in_dim3A_277] : memref<50x128xf32, #tpu.memory_space<vmem>>[vector<16xi32>, vector<16xi32>], vector<16xf32>,
      %add3A_282 = arith.addf %add3A_250, %gather3A_281 : vector<16xf32>
      %add3A_283 = arith.constant 16 : i32
      %add3A_284 = vector.broadcast %add3A_283 : i32 to vector<16xi32>
      %add3A_285 = arith.addi %iota3A, %add3A_284 : vector<16xi32>
      %gather3A_286 = tpu.vector_load_idx %arg8[%add3A_285, %broadcast_in_dim3A_277] : memref<50x128xf32, #tpu.memory_space<vmem>>[vector<16xi32>, vector<16xi32>], vector<16xf32>,
      %add3A_287 = arith.addf %add3A_255, %gather3A_286 : vector<16xf32>
      %add3A_288 = arith.constant 32 : i32
      %add3A_289 = vector.broadcast %add3A_288 : i32 to vector<16xi32>
      %add3A_290 = arith.addi %iota3A, %add3A_289 : vector<16xi32>
      %gather3A_291 = tpu.vector_load_idx %arg8[%add3A_290, %broadcast_in_dim3A_277] : memref<50x128xf32, #tpu.memory_space<vmem>>[vector<16xi32>, vector<16xi32>], vector<16xf32>,
      %add3A_292 = arith.addf %add3A_260, %gather3A_291 : vector<16xf32>
      %add3A_293 = arith.constant 48 : i32
      %add3A_294 = vector.broadcast %add3A_293 : i32 to vector<16xi32>
      %add3A_295 = arith.addi %iota3A, %add3A_294 : vector<16xi32>
      %lt3A_296 = arith.constant 50 : i32
      %lt3A_297 = vector.broadcast %lt3A_296 : i32 to vector<16xi32>
      %lt3A_298 = arith.cmpi slt, %add3A_295, %lt3A_297 : vector<16xi32>
      %min3A_299 = arith.constant 49 : i32
      %min3A_300 = vector.broadcast %min3A_299 : i32 to vector<16xi32>
      %min3A_301 = arith.minsi %add3A_295, %min3A_300 : vector<16xi32>
      %gather3A_302 = tpu.vector_load_idx %arg8[%min3A_301, %broadcast_in_dim3A_277] : memref<50x128xf32, #tpu.memory_space<vmem>>[vector<16xi32>, vector<16xi32>], vector<16xf32>,
      %jit3A_303 = arith.constant 0.000000e+00 : f32
      %broadcast_in_dim3A_304 = vector.broadcast %jit3A_303 : f32 to vector<16xf32>
      %select_n3A_305 = arith.select %lt3A_298, %gather3A_302, %broadcast_in_dim3A_304 : vector<16xi1>, vector<16xf32>
      %add3A_306 = arith.addf %add3A_274, %select_n3A_305 : vector<16xf32>
      %and3A_307 = arith.constant 127 : i32
      %and3A_308 = arith.andi %reduce_max3A_78, %and3A_307 : i32
      %broadcast_in_dim3A_309 = vector.broadcast %and3A_308 : i32 to vector<16xi32>
      %add3A_310 = arith.constant 0 : i32
      %add3A_311 = vector.broadcast %add3A_310 : i32 to vector<16xi32>
      %add3A_312 = arith.addi %iota3A, %add3A_311 : vector<16xi32>
      %gather3A_313 = tpu.vector_load_idx %arg9[%add3A_312, %broadcast_in_dim3A_309] : memref<50x128xf32, #tpu.memory_space<vmem>>[vector<16xi32>, vector<16xi32>], vector<16xf32>,
      %add3A_314 = arith.addf %add3A_282, %gather3A_313 : vector<16xf32>
      %add3A_315 = arith.constant 16 : i32
      %add3A_316 = vector.broadcast %add3A_315 : i32 to vector<16xi32>
      %add3A_317 = arith.addi %iota3A, %add3A_316 : vector<16xi32>
      %gather3A_318 = tpu.vector_load_idx %arg9[%add3A_317, %broadcast_in_dim3A_309] : memref<50x128xf32, #tpu.memory_space<vmem>>[vector<16xi32>, vector<16xi32>], vector<16xf32>,
      %add3A_319 = arith.addf %add3A_287, %gather3A_318 : vector<16xf32>
      %add3A_320 = arith.constant 32 : i32
      %add3A_321 = vector.broadcast %add3A_320 : i32 to vector<16xi32>
      %add3A_322 = arith.addi %iota3A, %add3A_321 : vector<16xi32>
      %gather3A_323 = tpu.vector_load_idx %arg9[%add3A_322, %broadcast_in_dim3A_309] : memref<50x128xf32, #tpu.memory_space<vmem>>[vector<16xi32>, vector<16xi32>], vector<16xf32>,
      %add3A_324 = arith.addf %add3A_292, %gather3A_323 : vector<16xf32>
      %add3A_325 = arith.constant 48 : i32
      %add3A_326 = vector.broadcast %add3A_325 : i32 to vector<16xi32>
      %add3A_327 = arith.addi %iota3A, %add3A_326 : vector<16xi32>
      %lt3A_328 = arith.constant 50 : i32
      %lt3A_329 = vector.broadcast %lt3A_328 : i32 to vector<16xi32>
      %lt3A_330 = arith.cmpi slt, %add3A_327, %lt3A_329 : vector<16xi32>
      %min3A_331 = arith.constant 49 : i32
      %min3A_332 = vector.broadcast %min3A_331 : i32 to vector<16xi32>
      %min3A_333 = arith.minsi %add3A_327, %min3A_332 : vector<16xi32>
      %gather3A_334 = tpu.vector_load_idx %arg9[%min3A_333, %broadcast_in_dim3A_309] : memref<50x128xf32, #tpu.memory_space<vmem>>[vector<16xi32>, vector<16xi32>], vector<16xf32>,
      %jit3A_335 = arith.constant 0.000000e+00 : f32
      %broadcast_in_dim3A_336 = vector.broadcast %jit3A_335 : f32 to vector<16xf32>
      %select_n3A_337 = arith.select %lt3A_330, %gather3A_334, %broadcast_in_dim3A_336 : vector<16xi1>, vector<16xf32>
      %add3A_338 = arith.addf %add3A_306, %select_n3A_337 : vector<16xf32>
      %and3A_339 = arith.constant 127 : i32
      %and3A_340 = arith.andi %reduce_max3A_100, %and3A_339 : i32
      %broadcast_in_dim3A_341 = vector.broadcast %and3A_340 : i32 to vector<16xi32>
      %add3A_342 = arith.constant 0 : i32
      %add3A_343 = vector.broadcast %add3A_342 : i32 to vector<16xi32>
      %add3A_344 = arith.addi %iota3A, %add3A_343 : vector<16xi32>
      %gather3A_345 = tpu.vector_load_idx %arg10[%add3A_344, %broadcast_in_dim3A_341] : memref<50x128xf32, #tpu.memory_space<vmem>>[vector<16xi32>, vector<16xi32>], vector<16xf32>,
      %add3A_346 = arith.addf %add3A_314, %gather3A_345 : vector<16xf32>
      %add3A_347 = arith.constant 16 : i32
      %add3A_348 = vector.broadcast %add3A_347 : i32 to vector<16xi32>
      %add3A_349 = arith.addi %iota3A, %add3A_348 : vector<16xi32>
      %gather3A_350 = tpu.vector_load_idx %arg10[%add3A_349, %broadcast_in_dim3A_341] : memref<50x128xf32, #tpu.memory_space<vmem>>[vector<16xi32>, vector<16xi32>], vector<16xf32>,
      %add3A_351 = arith.addf %add3A_319, %gather3A_350 : vector<16xf32>
      %add3A_352 = arith.constant 32 : i32
      %add3A_353 = vector.broadcast %add3A_352 : i32 to vector<16xi32>
      %add3A_354 = arith.addi %iota3A, %add3A_353 : vector<16xi32>
      %gather3A_355 = tpu.vector_load_idx %arg10[%add3A_354, %broadcast_in_dim3A_341] : memref<50x128xf32, #tpu.memory_space<vmem>>[vector<16xi32>, vector<16xi32>], vector<16xf32>,
      %add3A_356 = arith.addf %add3A_324, %gather3A_355 : vector<16xf32>
      %add3A_357 = arith.constant 48 : i32
      %add3A_358 = vector.broadcast %add3A_357 : i32 to vector<16xi32>
      %add3A_359 = arith.addi %iota3A, %add3A_358 : vector<16xi32>
      %lt3A_360 = arith.constant 50 : i32
      %lt3A_361 = vector.broadcast %lt3A_360 : i32 to vector<16xi32>
      %lt3A_362 = arith.cmpi slt, %add3A_359, %lt3A_361 : vector<16xi32>
      %min3A_363 = arith.constant 49 : i32
      %min3A_364 = vector.broadcast %min3A_363 : i32 to vector<16xi32>
      %min3A_365 = arith.minsi %add3A_359, %min3A_364 : vector<16xi32>
      %gather3A_366 = tpu.vector_load_idx %arg10[%min3A_365, %broadcast_in_dim3A_341] : memref<50x128xf32, #tpu.memory_space<vmem>>[vector<16xi32>, vector<16xi32>], vector<16xf32>,
      %jit3A_367 = arith.constant 0.000000e+00 : f32
      %broadcast_in_dim3A_368 = vector.broadcast %jit3A_367 : f32 to vector<16xf32>
      %select_n3A_369 = arith.select %lt3A_362, %gather3A_366, %broadcast_in_dim3A_368 : vector<16xi1>, vector<16xf32>
      %add3A_370 = arith.addf %add3A_338, %select_n3A_369 : vector<16xf32>
      %and3A_371 = arith.constant 127 : i32
      %and3A_372 = arith.andi %reduce_max3A_122, %and3A_371 : i32
      %broadcast_in_dim3A_373 = vector.broadcast %and3A_372 : i32 to vector<16xi32>
      %add3A_374 = arith.constant 0 : i32
      %add3A_375 = vector.broadcast %add3A_374 : i32 to vector<16xi32>
      %add3A_376 = arith.addi %iota3A, %add3A_375 : vector<16xi32>
      %gather3A_377 = tpu.vector_load_idx %arg11[%add3A_376, %broadcast_in_dim3A_373] : memref<50x128xf32, #tpu.memory_space<vmem>>[vector<16xi32>, vector<16xi32>], vector<16xf32>,
      %add3A_378 = arith.addf %add3A_346, %gather3A_377 : vector<16xf32>
      %add3A_379 = arith.constant 16 : i32
      %add3A_380 = vector.broadcast %add3A_379 : i32 to vector<16xi32>
      %add3A_381 = arith.addi %iota3A, %add3A_380 : vector<16xi32>
      %gather3A_382 = tpu.vector_load_idx %arg11[%add3A_381, %broadcast_in_dim3A_373] : memref<50x128xf32, #tpu.memory_space<vmem>>[vector<16xi32>, vector<16xi32>], vector<16xf32>,
      %add3A_383 = arith.addf %add3A_351, %gather3A_382 : vector<16xf32>
      %add3A_384 = arith.constant 32 : i32
      %add3A_385 = vector.broadcast %add3A_384 : i32 to vector<16xi32>
      %add3A_386 = arith.addi %iota3A, %add3A_385 : vector<16xi32>
      %gather3A_387 = tpu.vector_load_idx %arg11[%add3A_386, %broadcast_in_dim3A_373] : memref<50x128xf32, #tpu.memory_space<vmem>>[vector<16xi32>, vector<16xi32>], vector<16xf32>,
      %add3A_388 = arith.addf %add3A_356, %gather3A_387 : vector<16xf32>
      %add3A_389 = arith.constant 48 : i32
      %add3A_390 = vector.broadcast %add3A_389 : i32 to vector<16xi32>
      %add3A_391 = arith.addi %iota3A, %add3A_390 : vector<16xi32>
      %lt3A_392 = arith.constant 50 : i32
      %lt3A_393 = vector.broadcast %lt3A_392 : i32 to vector<16xi32>
      %lt3A_394 = arith.cmpi slt, %add3A_391, %lt3A_393 : vector<16xi32>
      %min3A_395 = arith.constant 49 : i32
      %min3A_396 = vector.broadcast %min3A_395 : i32 to vector<16xi32>
      %min3A_397 = arith.minsi %add3A_391, %min3A_396 : vector<16xi32>
      %gather3A_398 = tpu.vector_load_idx %arg11[%min3A_397, %broadcast_in_dim3A_373] : memref<50x128xf32, #tpu.memory_space<vmem>>[vector<16xi32>, vector<16xi32>], vector<16xf32>,
      %jit3A_399 = arith.constant 0.000000e+00 : f32
      %broadcast_in_dim3A_400 = vector.broadcast %jit3A_399 : f32 to vector<16xf32>
      %select_n3A_401 = arith.select %lt3A_394, %gather3A_398, %broadcast_in_dim3A_400 : vector<16xi1>, vector<16xf32>
      %add3A_402 = arith.addf %add3A_370, %select_n3A_401 : vector<16xf32>
      %and3A_403 = arith.constant 127 : i32
      %and3A_404 = arith.andi %reduce_max3A_144, %and3A_403 : i32
      %broadcast_in_dim3A_405 = vector.broadcast %and3A_404 : i32 to vector<16xi32>
      %add3A_406 = arith.constant 0 : i32
      %add3A_407 = vector.broadcast %add3A_406 : i32 to vector<16xi32>
      %add3A_408 = arith.addi %iota3A, %add3A_407 : vector<16xi32>
      %gather3A_409 = tpu.vector_load_idx %arg12[%add3A_408, %broadcast_in_dim3A_405] : memref<50x128xf32, #tpu.memory_space<vmem>>[vector<16xi32>, vector<16xi32>], vector<16xf32>,
      %add3A_410 = arith.addf %add3A_378, %gather3A_409 : vector<16xf32>
      %add3A_411 = arith.constant 16 : i32
      %add3A_412 = vector.broadcast %add3A_411 : i32 to vector<16xi32>
      %add3A_413 = arith.addi %iota3A, %add3A_412 : vector<16xi32>
      %gather3A_414 = tpu.vector_load_idx %arg12[%add3A_413, %broadcast_in_dim3A_405] : memref<50x128xf32, #tpu.memory_space<vmem>>[vector<16xi32>, vector<16xi32>], vector<16xf32>,
      %add3A_415 = arith.addf %add3A_383, %gather3A_414 : vector<16xf32>
      %add3A_416 = arith.constant 32 : i32
      %add3A_417 = vector.broadcast %add3A_416 : i32 to vector<16xi32>
      %add3A_418 = arith.addi %iota3A, %add3A_417 : vector<16xi32>
      %gather3A_419 = tpu.vector_load_idx %arg12[%add3A_418, %broadcast_in_dim3A_405] : memref<50x128xf32, #tpu.memory_space<vmem>>[vector<16xi32>, vector<16xi32>], vector<16xf32>,
      %add3A_420 = arith.addf %add3A_388, %gather3A_419 : vector<16xf32>
      %add3A_421 = arith.constant 48 : i32
      %add3A_422 = vector.broadcast %add3A_421 : i32 to vector<16xi32>
      %add3A_423 = arith.addi %iota3A, %add3A_422 : vector<16xi32>
      %lt3A_424 = arith.constant 50 : i32
      %lt3A_425 = vector.broadcast %lt3A_424 : i32 to vector<16xi32>
      %lt3A_426 = arith.cmpi slt, %add3A_423, %lt3A_425 : vector<16xi32>
      %min3A_427 = arith.constant 49 : i32
      %min3A_428 = vector.broadcast %min3A_427 : i32 to vector<16xi32>
      %min3A_429 = arith.minsi %add3A_423, %min3A_428 : vector<16xi32>
      %gather3A_430 = tpu.vector_load_idx %arg12[%min3A_429, %broadcast_in_dim3A_405] : memref<50x128xf32, #tpu.memory_space<vmem>>[vector<16xi32>, vector<16xi32>], vector<16xf32>,
      %jit3A_431 = arith.constant 0.000000e+00 : f32
      %broadcast_in_dim3A_432 = vector.broadcast %jit3A_431 : f32 to vector<16xf32>
      %select_n3A_433 = arith.select %lt3A_426, %gather3A_430, %broadcast_in_dim3A_432 : vector<16xi1>, vector<16xf32>
      %add3A_434 = arith.addf %add3A_402, %select_n3A_433 : vector<16xf32>
      %and3A_435 = arith.constant 127 : i32
      %and3A_436 = arith.andi %reduce_max3A_166, %and3A_435 : i32
      %broadcast_in_dim3A_437 = vector.broadcast %and3A_436 : i32 to vector<16xi32>
      %add3A_438 = arith.constant 0 : i32
      %add3A_439 = vector.broadcast %add3A_438 : i32 to vector<16xi32>
      %add3A_440 = arith.addi %iota3A, %add3A_439 : vector<16xi32>
      %gather3A_441 = tpu.vector_load_idx %arg13[%add3A_440, %broadcast_in_dim3A_437] : memref<50x128xf32, #tpu.memory_space<vmem>>[vector<16xi32>, vector<16xi32>], vector<16xf32>,
      %add3A_442 = arith.addf %add3A_410, %gather3A_441 : vector<16xf32>
      %add3A_443 = arith.constant 16 : i32
      %add3A_444 = vector.broadcast %add3A_443 : i32 to vector<16xi32>
      %add3A_445 = arith.addi %iota3A, %add3A_444 : vector<16xi32>
      %gather3A_446 = tpu.vector_load_idx %arg13[%add3A_445, %broadcast_in_dim3A_437] : memref<50x128xf32, #tpu.memory_space<vmem>>[vector<16xi32>, vector<16xi32>], vector<16xf32>,
      %add3A_447 = arith.addf %add3A_415, %gather3A_446 : vector<16xf32>
      %add3A_448 = arith.constant 32 : i32
      %add3A_449 = vector.broadcast %add3A_448 : i32 to vector<16xi32>
      %add3A_450 = arith.addi %iota3A, %add3A_449 : vector<16xi32>
      %gather3A_451 = tpu.vector_load_idx %arg13[%add3A_450, %broadcast_in_dim3A_437] : memref<50x128xf32, #tpu.memory_space<vmem>>[vector<16xi32>, vector<16xi32>], vector<16xf32>,
      %add3A_452 = arith.addf %add3A_420, %gather3A_451 : vector<16xf32>
      %add3A_453 = arith.constant 48 : i32
      %add3A_454 = vector.broadcast %add3A_453 : i32 to vector<16xi32>
      %add3A_455 = arith.addi %iota3A, %add3A_454 : vector<16xi32>
      %lt3A_456 = arith.constant 50 : i32
      %lt3A_457 = vector.broadcast %lt3A_456 : i32 to vector<16xi32>
      %lt3A_458 = arith.cmpi slt, %add3A_455, %lt3A_457 : vector<16xi32>
      %min3A_459 = arith.constant 49 : i32
      %min3A_460 = vector.broadcast %min3A_459 : i32 to vector<16xi32>
      %min3A_461 = arith.minsi %add3A_455, %min3A_460 : vector<16xi32>
      %gather3A_462 = tpu.vector_load_idx %arg13[%min3A_461, %broadcast_in_dim3A_437] : memref<50x128xf32, #tpu.memory_space<vmem>>[vector<16xi32>, vector<16xi32>], vector<16xf32>,
      %jit3A_463 = arith.constant 0.000000e+00 : f32
      %broadcast_in_dim3A_464 = vector.broadcast %jit3A_463 : f32 to vector<16xf32>
      %select_n3A_465 = arith.select %lt3A_458, %gather3A_462, %broadcast_in_dim3A_464 : vector<16xi1>, vector<16xf32>
      %add3A_466 = arith.addf %add3A_434, %select_n3A_465 : vector<16xf32>
      %swap3A = arith.constant 0 : index
      %swap3A_467 = tpu.vector_load %arg14[%swap3A] {strides = array<i32>} : memref<64xf32, #tpu.memory_space<vmem>>, vector<16xf32>,
      tpu.vector_store %arg14[%swap3A], %add3A_442 {strides = array<i32>} : memref<64xf32, #tpu.memory_space<vmem>>, vector<16xf32>,
      %swap3A_468 = arith.constant 16 : index
      %swap3A_469 = tpu.vector_load %arg14[%swap3A_468] {strides = array<i32>} : memref<64xf32, #tpu.memory_space<vmem>>, vector<16xf32>,
      tpu.vector_store %arg14[%swap3A_468], %add3A_447 {strides = array<i32>} : memref<64xf32, #tpu.memory_space<vmem>>, vector<16xf32>,
      %swap3A_470 = arith.constant 32 : index
      %swap3A_471 = tpu.vector_load %arg14[%swap3A_470] {strides = array<i32>} : memref<64xf32, #tpu.memory_space<vmem>>, vector<16xf32>,
      tpu.vector_store %arg14[%swap3A_470], %add3A_452 {strides = array<i32>} : memref<64xf32, #tpu.memory_space<vmem>>, vector<16xf32>,
      %swap3A_472 = arith.constant 48 : index
      %swap3A_473 = tpu.vector_load %arg14[%swap3A_472] {strides = array<i32>} : memref<64xf32, #tpu.memory_space<vmem>>, vector<16xf32>,
      tpu.vector_store %arg14[%swap3A_472], %add3A_466 {strides = array<i32>} : memref<64xf32, #tpu.memory_space<vmem>>, vector<16xf32>,
      "tpu.region"() ({
        %run_scoped3A = tpu.sem_alloc : memref<!tpu.dma_semaphore, #tpu.memory_space<semaphore_mem>>
        %dma_start3A_474 = arith.constant 0 : i32
        %dma_start3A_475 = tpu.memref_slice %arg4[%add3A, %dma_start3A_474] : memref<25x64xf32, #tpu.memory_space<hbm>> -> memref<1x64xf32, #tpu.memory_space<hbm>>
        %dma_start3A_476 = tpu.memref_squeeze %dma_start3A_475 : memref<1x64xf32, #tpu.memory_space<hbm>> -> memref<64xf32, #tpu.memory_space<hbm>>
        %dma_start3A_477 = arith.constant 0 : i32
        %dma_start3A_478 = tpu.memref_slice %arg4[%add3A, %dma_start3A_477] : memref<25x64xf32, #tpu.memory_space<hbm>> -> memref<1x64xf32, #tpu.memory_space<hbm>>
        %dma_start3A_479 = tpu.memref_squeeze %dma_start3A_478 : memref<1x64xf32, #tpu.memory_space<hbm>> -> memref<64xf32, #tpu.memory_space<hbm>>
        tpu.enqueue_dma source(%arg14 : memref<64xf32, #tpu.memory_space<vmem>>) target(%dma_start3A_479 : memref<64xf32, #tpu.memory_space<hbm>>) target_semaphore(%run_scoped3A : memref<!tpu.dma_semaphore, #tpu.memory_space<semaphore_mem>>)
        %dma_wait3A_480 = arith.constant 0 : i32
        %dma_wait3A_481 = tpu.memref_slice %arg4[%add3A, %dma_wait3A_480] : memref<25x64xf32, #tpu.memory_space<hbm>> -> memref<1x64xf32, #tpu.memory_space<hbm>>
        %dma_wait3A_482 = tpu.memref_squeeze %dma_wait3A_481 : memref<1x64xf32, #tpu.memory_space<hbm>> -> memref<64xf32, #tpu.memory_space<hbm>>
        %dma_wait3A_483 = arith.constant 0 : i32
        %dma_wait3A_484 = tpu.memref_slice %arg4[%add3A, %dma_wait3A_483] : memref<25x64xf32, #tpu.memory_space<hbm>> -> memref<1x64xf32, #tpu.memory_space<hbm>>
        %dma_wait3A_485 = tpu.memref_squeeze %dma_wait3A_484 : memref<1x64xf32, #tpu.memory_space<hbm>> -> memref<64xf32, #tpu.memory_space<hbm>>
        tpu.wait_dma2 semaphore(%run_scoped3A : memref<!tpu.dma_semaphore, #tpu.memory_space<semaphore_mem>>) src(%arg14 : memref<64xf32, #tpu.memory_space<vmem>>) dst(%dma_wait3A_485 : memref<64xf32, #tpu.memory_space<hbm>>)
        tpu.yield
      }) : () -> ()
    } else {
    }
    return
  }
}

module attributes {stable_mosaic.version = 14 : i64} {
  func.func @_tc_head_body(%arg0: memref<25x64xf32, #tpu.memory_space<vmem>>, %arg1: memref<50x100000xf32, #tpu.memory_space<vmem>>, %arg2: memref<1x100000xf32, #tpu.memory_space<vmem>>, %arg3: memref<1x100000xf32, #tpu.memory_space<vmem>>) attributes {dimension_semantics = [], scalar_prefetch = 0 : i64, scratch_operands = 0 : i64, tpu.core_type = #tpu.core_type<tc>} {
    %get3A = arith.constant 0 : index
    %get3A_0 = arith.constant 0 : index
    %get3A_1 = vector.load %arg0[%get3A, %get3A_0] : memref<25x64xf32, #tpu.memory_space<vmem>>, vector<25x64xf32>
    %reduce_sum3A = arith.constant dense<0.000000e+00> : vector<64xf32>
    %reduce_sum3A_2 = vector.multi_reduction <add>, %get3A_1, %reduce_sum3A [0] : vector<25x64xf32> to vector<64xf32>
    %broadcast_in_dim3A = vector.shape_cast %reduce_sum3A_2 : vector<64xf32> to vector<1x64xf32>
    %mul3A = arith.constant 5.000000e-03 : f32
    %mul3A_3 = vector.broadcast %mul3A : f32 to vector<1x64xf32>
    %mul3A_4 = arith.mulf %broadcast_in_dim3A, %mul3A_3 : vector<1x64xf32>
    %slice3A = vector.extract_strided_slice %mul3A_4 {offsets = [0, 0], sizes = [1, 50], strides = [1, 1]} : vector<1x64xf32> to vector<1x50xf32>
    %get3A_5 = arith.constant 0 : index
    %get3A_6 = arith.constant 0 : index
    %get3A_7 = vector.load %arg1[%get3A_5, %get3A_6] : memref<50x100000xf32, #tpu.memory_space<vmem>>, vector<50x100000xf32>
    %dot_general3A = arith.constant dense<0.000000e+00> : vector<1x100000xf32>
    %dot_general3A_8 = tpu.matmul %slice3A, %get3A_7, %dot_general3A {dimension_numbers = #tpu.dot_dimension_numbers<[1], [0], [0], [1], [0, 0, 1, 1], [], []>, transpose_lhs_hint = false} : vector<1x50xf32>, vector<50x100000xf32>, vector<1x100000xf32> -> vector<1x100000xf32>
    %get3A_9 = arith.constant 0 : index
    %get3A_10 = arith.constant 0 : index
    %get3A_11 = vector.load %arg2[%get3A_9, %get3A_10] : memref<1x100000xf32, #tpu.memory_space<vmem>>, vector<1x100000xf32>
    %add3A = arith.addf %dot_general3A_8, %get3A_11 : vector<1x100000xf32>
    %reduce_max3A = vector.shape_cast %add3A : vector<1x100000xf32> to vector<1x1x100000xf32>
    %reduce_max3A_12 = arith.constant dense<0xFF800000> : vector<1xf32>
    %reduce_max3A_13 = vector.multi_reduction <maximumf>, %reduce_max3A, %reduce_max3A_12 [1, 2] : vector<1x1x100000xf32> to vector<1xf32>
    %reduce_max3A_14 = vector.shape_cast %reduce_max3A_13 : vector<1xf32> to vector<1x1x1xf32>
    %reduce_max3A_15 = vector.extract %reduce_max3A_14[0, 0, 0] : f32 from vector<1x1x1xf32>
    %sub3A = vector.broadcast %reduce_max3A_15 : f32 to vector<1x100000xf32>
    %sub3A_16 = arith.subf %add3A, %sub3A : vector<1x100000xf32>
    %exp3A = math.exp %sub3A_16 : vector<1x100000xf32>
    %reduce_sum3A_17 = vector.shape_cast %exp3A : vector<1x100000xf32> to vector<1x1x100000xf32>
    %reduce_sum3A_18 = arith.constant dense<0.000000e+00> : vector<1xf32>
    %reduce_sum3A_19 = vector.multi_reduction <add>, %reduce_sum3A_17, %reduce_sum3A_18 [1, 2] : vector<1x1x100000xf32> to vector<1xf32>
    %reduce_sum3A_20 = vector.shape_cast %reduce_sum3A_19 : vector<1xf32> to vector<1x1x1xf32>
    %reduce_sum3A_21 = vector.extract %reduce_sum3A_20[0, 0, 0] : f32 from vector<1x1x1xf32>
    %log3A = math.log %reduce_sum3A_21 : f32
    %add3A_22 = arith.addf %reduce_max3A_15, %log3A : f32
    %sub3A_23 = vector.broadcast %add3A_22 : f32 to vector<1x100000xf32>
    %sub3A_24 = arith.subf %add3A, %sub3A_23 : vector<1x100000xf32>
    %swap3A = arith.constant 0 : index
    %swap3A_25 = arith.constant 0 : index
    %swap3A_26 = vector.load %arg3[%swap3A, %swap3A_25] : memref<1x100000xf32, #tpu.memory_space<vmem>>, vector<1x100000xf32>
    tpu.vector_store %arg3[%swap3A, %swap3A_25], %sub3A_24 {strides = array<i32>} : memref<1x100000xf32, #tpu.memory_space<vmem>>, vector<1x100000xf32>,
    return
  }
}

</mosaic_0001>

<sc_bundles>
// kernel: kernel.4.cloned.1.call-start
scs
__scs_entry_jumppad:
0x0: {  	(pc) =	sbr.rel $0x88, $3  }
0x1: {  	(tag) =	ssettag $0x0;
	lr =	simm.s32 $0x1  }
0x2: {  	[smem:$0x3F9D] =	sst lr;
	_ =	strace $0xD0000000  }
0x3: {  	_ = 	snop  }
0x4: {  	_ = 	snop  }
0x5: {  	_ = 	snop  }
0x6: {  	_ = 	snop  }
0x7: {  	_ = 	snop  }
__scs_overlays_trampoline_lowered:
0x8: {  	[smem:$0x3FAC] =	sst s0  }
0x9: {  	[smem:$0x3FAD] =	sst s1  }
0xa: {  	[smem:$0x3FAE] =	sst s2  }
0xb: {  	[smem:$0x3FAF] =	sst s3  }
0xc: {  	[smem:$0x3FB0] =	sst s4  }
0xd: {  	[smem:$0x3FB1] =	sst s5  }
0xe: {  	[smem:$0x3FB2] =	sst s6  }
0xf: {  	[smem:$0x3FB3] =	sst s7  }
0x10: {  	[smem:$0x3FB4] =	sst s8  }
0x11: {  	[smem:$0x3FB5] =	sst s9;
	s0 =	simm.s32 @!p0 $0x0  }
0x12: {  	s1 =	sld [smem:$0x3F9B];
	s0 =	simm.s32 @p0 $0x1  }
0x13: {  	[smem:$0x3FB6] =	sst s0;
	s0 =	simm.s32 @!p1 $0x0  }
0x14: {  	s2 =	sld [smem:$0x3F9A];
	s0 =	simm.s32 @p1 $0x1  }
0x15: {  	[smem:$0x3FB7] =	sst s0;
	s0 =	simm.s32 @!p2 $0x0  }
0x16: {  	s3 =	sld [smem:$0x3FDB];
	s0 =	simm.s32 @p2 $0x1  }
0x17: {  	s4 =	simm.s32 $0x1BF5;
	[smem:$0x3FB9] =	sst s0  }
0x18: {  	s0 =	sld [smem:$0x3F9C];
	_ =	swait.ge [sflag:s4], $0x0  }
0x19: {  	s7 =	sld [smem:$0x3F9D]  }
0x1a: {  	s8 =	sadd.s32 $0xFFFFE003, lr  }
0x1b: {  	s9 =	sadd.s32 $0xFFFFFEF7, lr;
	s5 =	simm.s32 $0xFFFFFFFF;
	p2 =	slt.u32 s8, $0xFFFFF086  }
0x1c: {  	p1 =	slt.u32 s9, $0xF7A;
	s5 =	simm.s32 @!p2 $0x0  }
0x1d: {  	s5 =	simm.s32 @p1 $0x1;
	p0 =	seq.s32 s7, s2  }
0x1e: {  	s7 =	smul.u32 @!p0 $0xF7A, s2;
	p2 =	seq.s32 @!p0 s5, $0x0  }
0x1f: {  	s9 =	smul.u32 $0xF7A, s1;
	s8 =	simm.s32 @!p0 $0x1BF5;
	p2 =	por !p2, p0  }
0x20: {  	[sflag:s8] =	ssyncset.s32 @!p0 $0xFFFFF086;
	s6 =	sadd.s32 @!p0 s3, s7;
	s7 =	simm.s32 @!p0 $0x108  }
0x21: {  	s3 =	sadd.s32 s3, s9;
	s6 =	sadd.s32 @!p0 $0x88, s6;
	s7 =	simm.s32 @p2 $0x1082  }
0x22: {  	[simem:s7], [sflag:s8] =	dma.local @!p0 [hbm:s6], $0xF7A  }
0x23: {  	s9 =	sor.u32 $0xD0000000, s2;
	s6 =	simm.s32 $0x108;
	_ =	swait.ge @!p0 [sflag:s8], $0x0  }
0x24: {  	s3 =	sadd.s32 $0x88, s3;
	s6 =	simm.s32 @!p1 $0x1082;
	[sflag:s4] =	ssyncset.s32 $0xFFFFF086  }
0x25: {  	[simem:s6], [sflag:s4] =	dma.local [hbm:s3], $0xF7A  }
0x26: {  	[smem:$0x3F9D] =	sst s1;
	(tag) =	ssettag s2;
	_ =	strace s9  }
0x27: {  	s1 =	sld [smem:$0x3FAD]  }
0x28: {  	s2 =	sld [smem:$0x3FAE]  }
0x29: {  	s4 =	sld [smem:$0x3FB0]  }
0x2a: {  	p0 =	seq.s32 s5, $0x0;
	s5 =	sld [smem:$0x3FB1]  }
0x2b: {  	s6 =	sld [smem:$0x3FB2]  }
0x2c: {  	s7 =	sld [smem:$0x3FB3]  }
0x2d: {  	s3 =	simm.s32 $0x108;
	s8 =	sld [smem:$0x3FB4]  }
0x2e: {  	s3 =	simm.s32 @!p0 $0x1082;
	s9 =	sld [smem:$0x3FB5]  }
0x2f: {  	lr =	sadd.s32 s0, s3;
	s0 =	sld [smem:$0x3FAC]  }
0x30: {  	s3 =	sld [smem:$0x3FAF]  }
0x31: {  	[smem:$0x3FB8] =	sst s10  }
0x32: {  	s10 =	sld [smem:$0x3FB6];
	_ =	sdelay $0x3  }
0x33: {  	p0 =	seq.s32 s10, $0x1;
	s10 =	sld [smem:$0x3FB8];
	_ =	sdelay $0x3  }
0x34: {  	[smem:$0x3FB8] =	sst s10  }
0x35: {  	s10 =	sld [smem:$0x3FB7];
	_ =	sdelay $0x3  }
0x36: {  	p1 =	seq.s32 s10, $0x1;
	s10 =	sld [smem:$0x3FB8];
	_ =	sdelay $0x3  }
0x37: {  	[smem:$0x3FB8] =	sst s10  }
0x38: {  	s10 =	sld [smem:$0x3FB9]  }
0x39: {  	_ = 	snop;
	(pc) =	sbr.ind lr, $3  }
0x3a: {  	_ = 	snop  }
0x3b: {  	_ = 	snop  }
0x3c: {  	p2 =	seq.s32 s10, $0x1;
	s10 =	sld [smem:$0x3FB8]  }
0x3d: {  	_ =	shalt  }
0x3e: {  	_ =	shalt  }
0x3f: {  	_ =	shalt  }
0x40: {  	_ =	shalt  }
0x41: {  	_ =	shalt  }
0x42: {  	_ =	shalt  }
0x43: {  	_ =	shalt  }
0x44: {  	_ =	shalt  }
0x45: {  	_ =	shalt  }
0x46: {  	_ =	shalt  }
0x47: {  	_ =	shalt  }
0x48: {  	_ =	shalt  }
0x49: {  	_ =	shalt  }
0x4a: {  	_ =	shalt  }
0x4b: {  	_ =	shalt  }
0x4c: {  	_ =	shalt  }
0x4d: {  	_ =	shalt  }
0x4e: {  	_ =	shalt  }
0x4f: {  	_ =	shalt  }
0x50: {  	_ =	shalt  }
0x51: {  	_ =	shalt  }
0x52: {  	_ =	shalt  }
0x53: {  	_ =	shalt  }
0x54: {  	_ =	shalt  }
0x55: {  	_ =	shalt  }
0x56: {  	_ =	shalt  }
0x57: {  	_ =	shalt  }
0x58: {  	_ =	shalt  }
0x59: {  	_ =	shalt  }
0x5a: {  	_ =	shalt  }
0x5b: {  	_ =	shalt  }
0x5c: {  	_ =	shalt  }
0x5d: {  	_ =	shalt  }
0x5e: {  	_ =	shalt  }
0x5f: {  	_ =	shalt  }
0x60: {  	_ =	shalt  }
0x61: {  	_ =	shalt  }
0x62: {  	_ =	shalt  }
0x63: {  	_ =	shalt  }
0x64: {  	_ =	shalt  }
0x65: {  	_ =	shalt  }
0x66: {  	_ =	shalt  }
0x67: {  	_ =	shalt  }
0x68: {  	_ =	shalt  }
0x69: {  	_ =	shalt  }
0x6a: {  	_ =	shalt  }
0x6b: {  	_ =	shalt  }
0x6c: {  	_ =	shalt  }
0x6d: {  	_ =	shalt  }
0x6e: {  	_ =	shalt  }
0x6f: {  	_ =	shalt  }
0x70: {  	_ =	shalt  }
0x71: {  	_ =	shalt  }
0x72: {  	_ =	shalt  }
0x73: {  	_ =	shalt  }
0x74: {  	_ =	shalt  }
0x75: {  	_ =	shalt  }
0x76: {  	_ =	shalt  }
0x77: {  	_ =	shalt  }
0x78: {  	_ =	shalt  }
0x79: {  	_ =	shalt  }
0x7a: {  	_ =	shalt  }
0x7b: {  	_ =	shalt  }
0x7c: {  	_ =	shalt  }
0x7d: {  	_ =	shalt  }
0x7e: {  	_ =	shalt  }
0x7f: {  	_ =	shalt  }
0x80: {  	_ =	shalt  }
0x81: {  	_ =	shalt  }
0x82: {  	_ =	shalt  }
0x83: {  	_ =	shalt  }
0x84: {  	_ =	shalt  }
0x85: {  	_ =	shalt  }
0x86: {  	_ =	shalt  }
0x87: {  	_ =	shalt  }
.Lfunc_end0:
.L_simem_size_0:
called_computation_lowered:
.L_overlay_start_0:
0x88: {  	s2 =	sld [smem:$0x3FD9]  }
0x89: {  	s3 =	sld [smem:$0x3FFE];
	_ =	sdelay $0x1  }
0x8a: {  	s1 =	srdreg.scid  }
0x8b: {  	s0 =	sand.u32 $0x1, s1  }
0x8c: {  	s18 =	sshll.u32 s0, $0xA;
	s2 =	sadd.s32 s3, s2  }
0x8d: {  	s2 =	sadd.s32 s2, s18  }
0x8e: {  	[smem:$0x3FC4] =	sst s2  }
0x8f: {  	_ = 	snop  }
0x90: {  	s2 =	sld [smem:$0x3FC9]  }
0x91: {  	s19 =	sld [smem:$0x3FC8]  }
0x92: {  	s4 =	sld [smem:$0x3FD0];
	(tm) =	ssettm $0x1  }
0x93: {  	s5 =	sld [smem:$0x3FFB];
	_ =	sdelay $0x3  }
0x94: {  	_ =	strace s5  }
0x95: {  	s5 =	sld [smem:$0x3FFC];
	_ =	sdelay $0x3  }
0x96: {  	_ =	strace s5  }
0x97: {  	s5 =	sld [smem:$0x3FFD];
	_ =	sdelay $0x3  }
0x98: {  	_ =	strace s5  }
0x99: {  	_ =	strace $0x8FFFFFFF  }
0x9a: {  	s20 =	sld [smem:$0x3FDB];
	_ =	sdelay $0x1  }
0x9b: {  	s6 =	simm.s32 $_scs_section_size  }
0x9c: {  	s7 =	simm.s32 $_size__tile_overlayer_lowered;
	s8 =	simm.s32 $_tile_overlayer_lowered  }
0x9d: {  	s23 =	simm.s32 $0x1BFF;
	s22 =	sshll.u32 s8, $0x1;
	s5 =	sadd.s32 s6, s20  }
0x9e: {  	s9 =	simm.s32 $0x0;
	s21 =	sshll.u32 s7, $0x1;
	s7 =	sadd.s32 s22, s5  }
0x9f: {  	[timem:s9], [sflag:s23] =	dma.local [hbm:s7], s21  }
0xa0: {  	_ =	swait.ge [sflag:s23], s21  }
0xa1: {  	s6 =	ssub.s32 $0x0, s21;
	[sflag:s23] =	ssyncset.done $0x0  }
0xa2: {  	[sflag:s23] =	ssyncadd.s32 s6;
	_ =	sdelay $0x1  }
0xa3: {  	s24 =	simm.s32 $0x1B8B  }
0xa4: {  	_ =	swait.ge [sflag:s24], $0x1  }
0xa5: {  	[sflag:s24] =	ssyncset.done $0x0  }
0xa6: {  	s25 =	simm.s32 $0x1B8E;
	[sflag:s24] =	ssyncadd.s32 $0xFFFFFFFF  }
0xa7: {  	s26 =	simm.s32 $execute0_lowered;
	[smem:$0x3FD2] =	sst s25  }
0xa8: {  	s6 =	sshll.u32 s26, $0x1;
	_ =	strace $0x80000046;
	[dreg:$0x1] =	wrdreg $0xFFFFFFFF  }
0xa9: {  	s28 =	simm.s32 $_size_execute0_lowered;
	s5 =	sadd.s32 s5, s6;
	[dreg:$0x0] =	wrdreg $0x0  }
0xaa: {  	s6 =	sshll.u32 s28, $0x1;
	[dreg:$0x2] =	wrdreg s5  }
0xab: {  	[dreg:$0x3] =	wrdreg s6  }
0xac: {  	[dreg:$0x4] =	wrdreg $0xC0  }
0xad: {  	_ =	task [dreg:s9], $0x5FFFF  }
0xae: {  	[dreg:$0x1] =	wrdreg $0xFFFFFFFF  }
0xaf: {  	[dreg:$0x0] =	wrdreg $0x60  }
0xb0: {  	[dreg:$0x2] =	wrdreg s2  }
0xb1: {  	[dreg:$0x3] =	wrdreg s19  }
0xb2: {  	[dreg:$0x4] =	wrdreg s4  }
0xb3: {  	[dreg:$0x5] =	wrdreg $0x9  }
0xb4: {  	_ =	task.clear_ibuf [dreg:s9], $0x6FFFF;
	_ =	strace $0x90000046  }
0xb5: {  	s29 =	simm.s32 $0x9;
	_ =	strace $0x80000048  }
0xb6: {  	_ =	swait.ge [sflag:s29], $0x1  }
0xb7: {  	[sflag:s29] =	ssyncadd.s32 $0xFFFFFFFF  }
0xb8: {  	_ =	strace $0x90000048  }
0xb9: {  	_ =	sfence  }
0xba: {  	s30 =	sld [smem:$0x0];
	_ =	sdelay $0x2  }
0xbb: {  	s31 =	sshll.u32 s1, $0xD;
	s1 =	sshrl.u32 s1, $0x2  }
0xbc: {  	s3 =	sand.u32 $0x4000, s31;
	s1 =	sadd.s32 s1, s30  }
0xbd: {  	s0 =	sor.u32 s3, s0;
	s1 =	sshll.u32 s1, $0x11  }
0xbe: {  	s0 =	sor.u32 s1, s0  }
0xbf: {  	s0 =	sadd.s32 $0x8F2B, s0  }
0xc0: {  	[sflag:s0] =	ssyncadd.remote.s32 $0x1  }
0xc1: {  	_ =	sfence.sel $0xFFFF  }
0xc2: {  	[dreg:$0x0] =	wrdreg $0xFFFFFFFF;
	(pc) =	sbr.abs _section_cstart, $3  }
0xc3: {  	[dreg:$0x1] =	wrdreg $0xFFFFFFFF  }
0xc4: {  	_ =	task.clear_ibuf [dreg:s9], $0x2FFFF;
	_ =	strace $0x9FFFFFFF  }
0xc5: {  	(tm) =	ssettm $0x7FFFFFFF  }
tec
execute0_lowered:
.L_overlay_start_1:
0x0: {  	(tag) =	ssettag $0x1  }
0x1: {  	s1 =	srdreg.scid;
	s0 =	stileid.u32  }
0x2: {  	s16 =	sand.u32 $0x1, s1;
	s6 =	sshll.u32 s0, $0x1  }
0x3: {  	s6 =	sor.u32 s16, s6  }
0x4: {  	p0 =	sgt.u32 s6, $0x18  }
.Ltmp0:
0x5: {  	s3 =	rddreg [dreg:$0x0];
	(pc) =	sbr.rel @p0 .LBB2_4-.Ltmp0, $4  }
0x6: {  	s4 =	rddreg [dreg:$0x1]  }
0x7: {  	s5 =	rddreg [dreg:$0x2];
	s2 =	simm.s32 $0x0  }
0x8: {  	[smem:$0x7FF] =	sst s2  }
0x9: {  	s1 =	rddreg [dreg:$0x3];
	_ =	strace $0x80000047  }
0xa: {  	s3 =	sadd.s32 s3, s6  }
0xb: {  	s15 =	simm.s32 $0x1880;
	[dreg:$0x5] =	wrdreg s3  }
0xc: {  	s17 =	simm.s32 $0x3480;
	[dreg:$0x6] =	wrdreg s15  }
0xd: {  	s18 =	simm.s32 $0x5080;
	[dreg:$0x7] =	wrdreg s17  }
0xe: {  	s19 =	simm.s32 $0x6C80;
	[dreg:$0x8] =	wrdreg s18  }
0xf: {  	s20 =	simm.s32 $0x8880;
	[dreg:$0x9] =	wrdreg s19  }
0x10: {  	s21 =	simm.s32 $0xA480;
	[dreg:$0xa] =	wrdreg s20  }
0x11: {  	s22 =	simm.s32 $0xC080;
	[dreg:$0xb] =	wrdreg s21  }
0x12: {  	s23 =	simm.s32 $0xDC80;
	[dreg:$0xc] =	wrdreg s22  }
0x13: {  	s7 =	sshll.u32 s6, $0x4;
	s25 =	simm.s32 $0xE080;
	[dreg:$0xd] =	wrdreg s23  }
0x14: {  	s5 =	sadd.s32 s5, s7;
	[dreg:$0xe] =	wrdreg s25  }
0x15: {  	[dreg:$0x4] =	wrdreg s5  }
0x16: {  	s3 =	simm.s32 $0x2;
	s24 =	rddreg [dreg:$0x5]  }
0x17: {  	[tilespmem:s2], [sflag:$0x2] =	stream.linear.gather [hbm4b:s24+s2], $0x8, $0x38;
	[tilespmem:$0xE100] =	vst v63  }
0x18: {  	_ =	swait.ge [sflag:s3], $0x8  }
0x19: {  	[sflag:s3] =	ssyncset.done $0x0  }
0x1a: {  	[sflag:s3] =	ssyncadd.s32 $0xFFFFFFF8  }
0x1b: {  	v0 =	vld [tilespmem:$0x0];
	_ =	sdelay $0x3  }
0x1c: {  	vm0 =	vmmov $0x1  }
0x1d: {  	vm1 =	vcmask $0xB10;
	v1 =	vnsel vm0, $0x0, v0  }
0x1e: {  	vm2 =	vcmask $0x70C;
	v2 =	vsel vm1, $0x0, v0;
	v1 =	vxor.u32 $0x80000000, v1  }
0x1f: {  	v3 =	vsel vm2, $0x0, v0;
	v2 =	vxor.u32 $0x80000000, v2;
	(xrf0) =	vmax.scan.msk.u32 $0xffff, v1  }
0x20: {  	vm3 =	vcmask $0x308;
	v1 =	vxor.u32 $0x80000000, v3;
	(xrf0) =	vmax.scan.msk.u32 $0xffff, v2  }
0x21: {  	v2 =	vsel vm3, $0x0, v0;
	(xrf0) =	vmax.scan.msk.u32 $0xffff, v1  }
0x22: {  	v1 =	vxor.u32 $0x80000000, v2  }
0x23: {  	(xrf0) =	vmax.scan.msk.u32 $0xffff, v1;
	_ =	sdelay $0x1  }
0x24: {  	v1, _, _ =	vpop (xrf0)  }
0x25: {  	(v2sf) =	vpush v1, $0xF;
	v1, _, _ =	vpop (xrf0)  }
0x26: {  	v2, _, _ =	vpop (xrf0);
	(v2sf) =	vpush v1, $0xF  }
0x27: {  	(v2sf) =	vpush v2, $0xF  }
0x28: {  	v1, _, _ =	vpop (xrf0)  }
0x29: {  	(v2sf) =	vpush v1, $0xF  }
0x2a: {  	vm4 =	vcmask $0xF14  }
0x2b: {  	v1 =	vsel vm4, $0x0, v0  }
0x2c: {  	v1 =	vxor.u32 $0x80000000, v1  }
0x2d: {  	(xrf0) =	vmax.scan.msk.u32 $0xffff, v1  }
0x2e: {  	vm5 =	vcmask $0x1318  }
0x2f: {  	v1 =	vsel vm5, $0x0, v0  }
0x30: {  	v1 =	vxor.u32 $0x80000000, v1  }
0x31: {  	vm6 =	vcmask $0x1B20;
	(xrf0) =	vmax.scan.msk.u32 $0xffff, v1  }
0x32: {  	vm7 =	vcmask $0x171C;
	v1 =	vsel vm6, $0x0, v0  }
0x33: {  	v0 =	vsel vm7, $0x0, v0;
	v1 =	vxor.u32 $0x80000000, v1;
	v2, _, _ =	vpop (xrf0)  }
0x34: {  	s6 =	simm.s32 $0xC3800;
	v0 =	vxor.u32 $0x80000000, v0;
	(xrf0) =	vmax.scan.msk.u32 $0xffff, v1;
	(v2sf) =	vpush v2, $0xF;
	s18 =	spop (v2sf)  }
0x35: {  	s7 =	simm.s32 $0x80;
	(xrf0) =	vmax.scan.msk.u32 $0xffff, v0;
	s8 =	sand.u32 $0xFFFFF80, s18;
	s17 =	spop (v2sf)  }
0x36: {  	s5 =	simm.s32 $0x400;
	s8 =	sadd.s32 s4, s8;
	s19 =	spop (v2sf)  }
0x37: {  	v0, _, _ =	vpop (xrf0);
	[tilespmem:s7], [sflag:$0x1] =	stream.strided.gather [hbm4b:s8+s5], $0x1800, s6, s5, $0x38;
	[tilespmem:$0xE100] =	vst v63  }
0x38: {  	(v2sf) =	vpush v0, $0xF;
	s20 =	spop (v2sf)  }
0x39: {  	s9 =	rddreg [dreg:$0x6];
	s8 =	sadd.s32 $0x92A00, s8;
	s26 =	sand.u32 $0xFFFFF80, s20  }
0x3a: {  	v0, _, _ =	vpop (xrf0);
	[tilespmem:s9], [sflag:$0x1] =	stream.linear.gather [hbm4b:s8+s2], $0x100, $0x38;
	[tilespmem:$0xE100] =	vst v63  }
0x3b: {  	v1, _, _ =	vpop (xrf0);
	s8 =	simm.s32 $0x1C80;
	s9 =	sadd.s32 s4, s26  }
0x3c: {  	(v2sf) =	vpush v1, $0xF;
	[tilespmem:s8], [sflag:$0x1] =	stream.strided.gather [hbm4b:s9+s5], $0x1800, s6, s5, $0x38;
	[tilespmem:$0xE100] =	vst v63  }
0x3d: {  	s10 =	rddreg [dreg:$0x7];
	s11 =	sand.u32 $0xFFFFF80, s19;
	s9 =	sadd.s32 $0x92A00, s9  }
0x3e: {  	[tilespmem:s10], [sflag:$0x1] =	stream.linear.gather [hbm4b:s9+s2], $0x100, $0x38;
	[tilespmem:$0xE100] =	vst v63  }
0x3f: {  	s11 =	sadd.s32 s4, s11;
	s9 =	simm.s32 $0x3880  }
0x40: {  	(v2sf) =	vpush v0, $0xF;
	[tilespmem:s9], [sflag:$0x1] =	stream.strided.gather [hbm4b:s11+s5], $0x1800, s6, s5, $0x38;
	[tilespmem:$0xE100] =	vst v63  }
0x41: {  	s12 =	rddreg [dreg:$0x8];
	s13 =	sand.u32 $0xFFFFF80, s17;
	s11 =	sadd.s32 $0x92A00, s11  }
0x42: {  	[tilespmem:s12], [sflag:$0x1] =	stream.linear.gather [hbm4b:s11+s2], $0x100, $0x38;
	[tilespmem:$0xE100] =	vst v63  }
0x43: {  	s28 =	sadd.s32 s4, s13;
	s10 =	simm.s32 $0x5480;
	s21 =	spop (v2sf)  }
0x44: {  	[tilespmem:s10], [sflag:$0x1] =	stream.strided.gather [hbm4b:s28+s5], $0x1800, s6, s5, $0x38;
	[tilespmem:$0xE100] =	vst v63  }
0x45: {  	s29 =	rddreg [dreg:$0x9];
	s14 =	sand.u32 $0xFFFFF80, s21;
	s11 =	sadd.s32 $0x92A00, s28  }
0x46: {  	[tilespmem:s29], [sflag:$0x1] =	stream.linear.gather [hbm4b:s11+s2], $0x100, $0x38;
	[tilespmem:$0xE100] =	vst v63  }
0x47: {  	s12 =	simm.s32 $0x7080;
	s30 =	sadd.s32 s4, s14;
	s23 =	spop (v2sf)  }
0x48: {  	[tilespmem:s12], [sflag:$0x1] =	stream.strided.gather [hbm4b:s30+s5], $0x1800, s6, s5, $0x38;
	[tilespmem:$0xE100] =	vst v63  }
0x49: {  	s31 =	rddreg [dreg:$0xa];
	s13 =	sadd.s32 $0x92A00, s30;
	s15 =	sand.u32 $0xFFFFF80, s23  }
0x4a: {  	[tilespmem:s31], [sflag:$0x1] =	stream.linear.gather [hbm4b:s13+s2], $0x100, $0x38;
	[tilespmem:$0xE100] =	vst v63  }
0x4b: {  	s11 =	simm.s32 $0x8C80;
	s0 =	sadd.s32 s4, s15;
	s22 =	spop (v2sf)  }
0x4c: {  	[tilespmem:s11], [sflag:$0x1] =	stream.strided.gather [hbm4b:s0+s5], $0x1800, s6, s5, $0x38;
	[tilespmem:$0xE100] =	vst v63  }
0x4d: {  	s1 =	rddreg [dreg:$0xb];
	s14 =	sadd.s32 $0x92A00, s0;
	s24 =	sand.u32 $0xFFFFF80, s22  }
0x4e: {  	[tilespmem:s1], [sflag:$0x1] =	stream.linear.gather [hbm4b:s14+s2], $0x100, $0x38;
	[tilespmem:$0xE100] =	vst v63  }
0x4f: {  	s25 =	spop (v2sf);
	s15 =	sadd.s32 s4, s24;
	s13 =	simm.s32 $0xA880  }
0x50: {  	[tilespmem:s13], [sflag:$0x1] =	stream.strided.gather [hbm4b:s15+s5], $0x1800, s6, s5, $0x38;
	[tilespmem:$0xE100] =	vst v63  }
0x51: {  	s24 =	rddreg [dreg:$0xc];
	s26 =	sand.u32 $0xFFFFF80, s25;
	s14 =	sadd.s32 $0x92A00, s15  }
0x52: {  	[tilespmem:s24], [sflag:$0x1] =	stream.linear.gather [hbm4b:s14+s2], $0x100, $0x38;
	[tilespmem:$0xE100] =	vst v63  }
0x53: {  	s28 =	sadd.s32 s4, s26;
	s14 =	simm.s32 $0xC480  }
0x54: {  	[tilespmem:s14], [sflag:$0x1] =	stream.strided.gather [hbm4b:s28+s5], $0x1800, s6, s5, $0x38;
	[tilespmem:$0xE100] =	vst v63  }
0x55: {  	s29 =	rddreg [dreg:$0xd];
	s15 =	sadd.s32 $0x92A00, s28  }
0x56: {  	[tilespmem:s29], [sflag:$0x1] =	stream.linear.gather [hbm4b:s15+s2], $0x100, $0x38;
	[tilespmem:$0xE100] =	vst v63  }
0x57: {  	s15 =	simm.s32 $0x1  }
0x58: {  	_ =	swait.ge [sflag:s15], $0x1900  }
0x59: {  	[sflag:s15] =	ssyncset.done $0x0  }
0x5a: {  	[sflag:s15] =	ssyncadd.s32 $0xFFFFE700  }
0x5b: {  	_ =	swait.ge [sflag:s15], $0x1900  }
0x5c: {  	[sflag:s15] =	ssyncset.done $0x0  }
0x5d: {  	[sflag:s15] =	ssyncadd.s32 $0xFFFFE700  }
0x5e: {  	_ =	swait.ge [sflag:s15], $0x1900  }
0x5f: {  	[sflag:s15] =	ssyncset.done $0x0  }
0x60: {  	[sflag:s15] =	ssyncadd.s32 $0xFFFFE700  }
0x61: {  	_ =	swait.ge [sflag:s15], $0x1900  }
0x62: {  	[sflag:s15] =	ssyncset.done $0x0  }
0x63: {  	[sflag:s15] =	ssyncadd.s32 $0xFFFFE700  }
0x64: {  	_ =	swait.ge [sflag:s15], $0x1900  }
0x65: {  	[sflag:s15] =	ssyncset.done $0x0  }
0x66: {  	[sflag:s15] =	ssyncadd.s32 $0xFFFFE700  }
0x67: {  	_ =	swait.ge [sflag:s15], $0x1900  }
0x68: {  	[sflag:s15] =	ssyncset.done $0x0  }
0x69: {  	vm8 =	vcmask $0x300;
	v0 =	vimm.s32 $0x1880;
	[sflag:s15] =	ssyncadd.s32 $0xFFFFE700  }
0x6a: {  	v1 =	vsel vm8, $0x1800, v0;
	s30 =	sand.u32 $0x7F, s18;
	_ =	swait.ge [sflag:s15], $0x1900  }
0x6b: {  	v2 =	vor.u32 s30, v1;
	s26 =	sand.u32 $0x7F, s20;
	[sflag:s15] =	ssyncset.done $0x0  }
0x6c: {  	v4 =	vor.u32 s26, v1;
	s28 =	sand.u32 $0x7F, s19;
	[sflag:s15] =	ssyncadd.s32 $0xFFFFE700  }
0x6d: {  	v0 =	vlaneseq.u32;
	v5 =	vor.u32 s28, v1;
	s29 =	sand.u32 $0x7F, s17;
	_ =	swait.ge [sflag:s15], $0x1900  }
0x6e: {  	v3 =	vmul.u32 $0x80, v0;
	s19 =	sand.u32 $0x7F, s21;
	v6 =	vor.u32 s29, v1;
	[sflag:s15] =	ssyncset.done $0x0  }
0x6f: {  	s18 =	sand.u32 $0x7F, s23;
	v7 =	vor.u32 s19, v1;
	[sflag:s15] =	ssyncadd.s32 $0xFFFFE700  }
0x70: {  	v0 =	vor.u32 $0x1000, v3;
	v9 =	vor.u32 s18, v1;
	v8 =	vld.idx.msk [tilespmem:v2+s7+$0x0], $0xffff  }
0x71: {  	s20 =	sand.u32 $0x7F, s22;
	v10 =	vor.u32 s26, v0;
	v4 =	vld.idx.msk [tilespmem:v4+s8+$0x0], $0xffff  }
0x72: {  	v15 =	vor.u32 s20, v1;
	v11 =	vld.idx.msk [tilespmem:v5+s9+$0x0], $0xffff  }
0x73: {  	v16 =	vor.u32 s30, v3;
	v13 =	vld.idx.msk [tilespmem:v6+s10+$0x0], $0xffff  }
0x74: {  	v17 =	vor.u32 s30, v0;
	s17 =	sand.u32 $0x7F, s25;
	v14 =	vld.idx.msk [tilespmem:v7+s12+$0x0], $0xffff  }
0x75: {  	vm8 =	vmmov $0x3;
	v2 =	vor.u32 $0x800, v3;
	v5 =	vor.u32 s17, v1;
	v9 =	vld.idx.msk [tilespmem:v9+s11+$0x0], $0xffff  }
0x76: {  	v6 =	vld.idx.msk [tilespmem:v10+s8+$0x0], $0xffff;
	v12 =	vor.u32 s26, v2;
	v7 =	vnsel vm8, $0x0, v8  }
0x77: {  	v23 =	vld.idx.msk [tilespmem:v15+s13+$0x0], $0xffff;
	v18 =	vor.u32 s30, v2;
	v10 =	vadd.f32 $0.0e+00, v7  }
0x78: {  	v15 =	vld.idx.msk [tilespmem:v16+s7+$0x0], $0xffff;
	v8 =	vor.u32 s26, v3;
	v4 =	vnsel vm8, $0x0, v4  }
0x79: {  	s16 =	ssub.s32 $0x2, s16;
	v16 =	vor.u32 s19, v0;
	v21 =	vld.idx.msk [tilespmem:v17+s7+$0x0], $0xffff;
	v4 =	vadd.f32 v4, v10  }
0x7a: {  	s31 =	sshrl.u32 s16, $0x1;
	v5 =	vld.idx.msk [tilespmem:v5+s14+$0x0], $0xffff;
	v11 =	vnsel vm8, $0x0, v11;
	v10 =	vor.u32 s28, v3  }
0x7b: {  	s16 =	ssub.s32 s16, s31;
	v7 =	vld.idx.msk [tilespmem:v12+s8+$0x0], $0xffff;
	v4 =	vadd.f32 v11, v4;
	v11 =	vor.u32 s29, v3  }
0x7c: {  	s16 =	smax.u32 s16, $0x1;
	v24 =	vor.u32 s29, v0;
	v12 =	vld.idx.msk [tilespmem:v18+s7+$0x0], $0xffff  }
0x7d: {  	p0 =	sne.s32 s16, $0x1;
	v25 =	vor.u32 s19, v3;
	v22 =	vld.idx.msk [tilespmem:v8+s8+$0x0], $0xffff;
	v8 =	vnsel vm8, $0x0, v13  }
.Ltmp1:
0x7e: {  	v20 =	vor.u32 s18, v3;
	v17 =	vor.u32 s28, v0;
	v4 =	vadd.f32 v8, v4;
	v8 =	vld.idx.msk [tilespmem:v16+s12+$0x0], $0xffff;
	(pc) =	sbr.rel @!p0 .LBB2_3-.Ltmp1, $4  }
0x7f: {  	v19 =	vor.u32 s28, v2;
	v9 =	vnsel vm8, $0x0, v9;
	v13 =	vld.idx.msk [tilespmem:v10+s9+$0x0], $0xffff;
	v10 =	vnsel vm8, $0x0, v14  }
0x80: {  	v18 =	vor.u32 s29, v2;
	v16 =	vadd.f32 $0.0e+00, v15;
	v10 =	vadd.f32 v10, v4;
	v15 =	vld.idx.msk [tilespmem:v11+s10+$0x0], $0xffff  }
0x81: {  	v14 =	vadd.f32 $0.0e+00, v21;
	v21 =	vor.u32 s20, v3;
	v4 =	vor.u32 s17, v3;
	v11 =	vld.idx.msk [tilespmem:v24+s10+$0x0], $0xffff  }
0x82: {  	s16 =	sadd.s32 $0xFFFFFFFF, s16;
	v22 =	vadd.f32 v22, v16;
	v16 =	vld.idx.msk [tilespmem:v25+s12+$0x0], $0xffff;
	v9 =	vadd.f32 v9, v10;
	v10 =	vnsel vm8, $0x0, v23  }
.LBB2_2:
0x83: {  	_ = 	snop  }
0x84: {  	v17 =	vld.idx.msk [tilespmem:v17+s9+$0x0], $0xffff  }
0x85: {  	v20 =	vld.idx.msk [tilespmem:v20+s11+$0x0], $0xffff;
	v13 =	vadd.f32 v13, v22;
	v22 =	vor.u32 s19, v2  }
0x86: {  	v19 =	vld.idx.msk [tilespmem:v19+s9+$0x0], $0xffff;
	v23 =	vor.u32 s18, v0  }
0x87: {  	v21 =	vld.idx.msk [tilespmem:v21+s13+$0x0], $0xffff;
	v12 =	vadd.f32 $0.0e+00, v12;
	v13 =	vadd.f32 v15, v13;
	v15 =	vor.u32 s18, v2  }
0x88: {  	v18 =	vld.idx.msk [tilespmem:v18+s10+$0x0], $0xffff;
	v24 =	vor.u32 s20, v0;
	v6 =	vadd.f32 v6, v14  }
0x89: {  	v4 =	vld.idx.msk [tilespmem:v4+s14+$0x0], $0xffff;
	v7 =	vadd.f32 v7, v12;
	v13 =	vadd.f32 v16, v13;
	v16 =	vor.u32 s20, v2  }
0x8a: {  	v14 =	vor.u32 s17, v0;
	v6 =	vadd.f32 v17, v6;
	v12 =	vld.idx.msk [tilespmem:v22+s12+$0x0], $0xffff  }
0x8b: {  	v7 =	vadd.f32 v19, v7;
	v22 =	vor.u32 s17, v2;
	v13 =	vadd.f32 v20, v13;
	v20 =	vld.idx.msk [tilespmem:v23+s11+$0x0], $0xffff  }
0x8c: {  	v6 =	vadd.f32 v11, v6;
	v15 =	vld.idx.msk [tilespmem:v15+s11+$0x0], $0xffff  }
0x8d: {  	v17 =	vld.idx.msk [tilespmem:v24+s13+$0x0], $0xffff;
	v7 =	vadd.f32 v18, v7;
	v13 =	vadd.f32 v21, v13  }
0x8e: {  	v6 =	vadd.f32 v8, v6;
	v11 =	vld.idx.msk [tilespmem:v16+s13+$0x0], $0xffff  }
0x8f: {  	v4 =	vadd.f32 v4, v13;
	v13 =	vld.idx.msk [tilespmem:v14+s14+$0x0], $0xffff;
	v7 =	vadd.f32 v12, v7  }
0x90: {  	v8 =	vld.idx.msk [tilespmem:v22+s14+$0x0], $0xffff;
	v6 =	vadd.f32 v20, v6  }
0x91: {  	[tilespmem:$0xE080] =	vst v4;
	v4 =	vadd.f32 v15, v7;
	v7 =	vadd.f32 v10, v9  }
0x92: {  	v5 =	vnsel vm8, $0x0, v5;
	v6 =	vadd.f32 v17, v6  }
0x93: {  	v4 =	vadd.f32 v11, v4;
	v5 =	vadd.f32 v5, v7  }
0x94: {  	v6 =	vadd.f32 v13, v6  }
0x95: {  	v4 =	vadd.f32 v8, v4;
	[tilespmem:$0xE0B0] =	vst v5  }
0x96: {  	s26 =	rddreg [dreg:$0xe];
	[tilespmem:$0xE0A0] =	vst v6  }
0x97: {  	s28 =	rddreg [dreg:$0x4];
	[tilespmem:$0xE090] =	vst v4  }
0x98: {  	[hbm4b:s28+s2] =	stream.linear.scatter [tilespmem:s26], [sflag:$0x2], $0x80, $0x38;
	[tilespmem:$0xE100] =	vst v63  }
0x99: {  	_ =	swait.ge [sflag:s3], $0x80  }
0x9a: {  	[sflag:s3] =	ssyncset.done $0x0  }
0x9b: {  	s29 =	rddreg [dreg:$0x5];
	[sflag:s3] =	ssyncadd.s32 $0xFFFFFF80  }
0x9c: {  	[tilespmem:s2], [sflag:$0x2] =	stream.linear.gather [hbm4b:s29+s2], $0x8, $0x38;
	[tilespmem:$0xE100] =	vst v63  }
0x9d: {  	_ =	swait.ge [sflag:s3], $0x8  }
0x9e: {  	[sflag:s3] =	ssyncset.done $0x0  }
0x9f: {  	[sflag:s3] =	ssyncadd.s32 $0xFFFFFFF8  }
0xa0: {  	v4 =	vld [tilespmem:$0x0];
	_ =	sdelay $0x4  }
0xa1: {  	v5 =	vnsel vm0, $0x0, v4  }
0xa2: {  	v8 =	vsel vm1, $0x0, v4;
	v5 =	vxor.u32 $0x80000000, v5  }
0xa3: {  	v6 =	vsel vm2, $0x0, v4;
	v8 =	vxor.u32 $0x80000000, v8;
	(xrf0) =	vmax.scan.msk.u32 $0xffff, v5  }
0xa4: {  	v7 =	vsel vm5, $0x0, v4;
	v6 =	vxor.u32 $0x80000000, v6;
	(xrf0) =	vmax.scan.msk.u32 $0xffff, v8  }
0xa5: {  	v9 =	vsel vm3, $0x0, v4;
	v10 =	vsel vm7, $0x0, v4;
	v5 =	vsel vm4, $0x0, v4;
	(xrf0) =	vmax.scan.msk.u32 $0xffff, v6  }
0xa6: {  	v4 =	vsel vm6, $0x0, v4;
	v8 =	vxor.u32 $0x80000000, v9;
	v5 =	vxor.u32 $0x80000000, v5  }
0xa7: {  	v4 =	vxor.u32 $0x80000000, v4;
	(xrf0) =	vmax.scan.msk.u32 $0xffff, v8  }
0xa8: {  	v7 =	vxor.u32 $0x80000000, v7;
	(xrf0) =	vmax.scan.msk.u32 $0xffff, v5  }
0xa9: {  	(xrf0) =	vmax.scan.msk.u32 $0xffff, v7;
	v5, _, _ =	vpop (xrf0)  }
0xaa: {  	(xrf0) =	vmax.scan.msk.u32 $0xffff, v4;
	(v2sf) =	vpush v5, $0xF;
	v4, _, _ =	vpop (xrf0)  }
0xab: {  	v5, _, _ =	vpop (xrf0);
	(v2sf) =	vpush v4, $0xF  }
0xac: {  	(v2sf) =	vpush v5, $0xF  }
0xad: {  	v4, _, _ =	vpop (xrf0)  }
0xae: {  	(v2sf) =	vpush v4, $0xF;
	_ =	sdelay $0x6  }
0xaf: {  	v9 =	vxor.u32 $0x80000000, v10  }
0xb0: {  	(xrf0) =	vmax.scan.msk.u32 $0xffff, v9;
	v5, _, _ =	vpop (xrf0)  }
0xb1: {  	(v2sf) =	vpush v5, $0xF;
	_ =	sdelay $0x1  }
0xb2: {  	s20 =	spop (v2sf)  }
0xb3: {  	v4, _, _ =	vpop (xrf0);
	s30 =	sand.u32 $0xFFFFF80, s20;
	s21 =	spop (v2sf)  }
0xb4: {  	v6, _, _ =	vpop (xrf0);
	(v2sf) =	vpush v4, $0xF;
	s18 =	sadd.s32 s4, s30;
	s25 =	spop (v2sf)  }
0xb5: {  	v4, _, _ =	vpop (xrf0);
	[tilespmem:s7], [sflag:$0x1] =	stream.strided.gather [hbm4b:s18+s5], $0x1800, s6, s5, $0x38;
	[tilespmem:$0xE100] =	vst v63  }
0xb6: {  	(v2sf) =	vpush v4, $0xF;
	s24 =	spop (v2sf)  }
0xb7: {  	s31 =	rddreg [dreg:$0x6];
	s18 =	sadd.s32 $0x92A00, s18;
	s0 =	sand.u32 $0xFFFFF80, s24  }
0xb8: {  	[tilespmem:s31], [sflag:$0x1] =	stream.linear.gather [hbm4b:s18+s2], $0x100, $0x38;
	[tilespmem:$0xE100] =	vst v63  }
0xb9: {  	s18 =	sadd.s32 s4, s0  }
0xba: {  	[tilespmem:s8], [sflag:$0x1] =	stream.strided.gather [hbm4b:s18+s5], $0x1800, s6, s5, $0x38;
	[tilespmem:$0xE100] =	vst v63  }
0xbb: {  	s1 =	rddreg [dreg:$0x7];
	s23 =	sand.u32 $0xFFFFF80, s25;
	s18 =	sadd.s32 $0x92A00, s18  }
0xbc: {  	[tilespmem:s1], [sflag:$0x1] =	stream.linear.gather [hbm4b:s18+s2], $0x100, $0x38;
	[tilespmem:$0xE100] =	vst v63  }
0xbd: {  	s17 =	rddreg [dreg:$0x8];
	s23 =	sadd.s32 s4, s23  }
0xbe: {  	(v2sf) =	vpush v6, $0xF;
	[tilespmem:s9], [sflag:$0x1] =	stream.strided.gather [hbm4b:s23+s5], $0x1800, s6, s5, $0x38;
	[tilespmem:$0xE100] =	vst v63  }
0xbf: {  	s22 =	sand.u32 $0xFFFFF80, s21;
	s26 =	spop (v2sf);
	s18 =	sadd.s32 $0x92A00, s23  }
0xc0: {  	[tilespmem:s17], [sflag:$0x1] =	stream.linear.gather [hbm4b:s18+s2], $0x100, $0x38;
	[tilespmem:$0xE100] =	vst v63  }
0xc1: {  	s28 =	sand.u32 $0xFFFFF80, s26;
	s23 =	sand.u32 $0x7F, s24;
	s24 =	sadd.s32 s4, s22  }
0xc2: {  	[tilespmem:s10], [sflag:$0x1] =	stream.strided.gather [hbm4b:s24+s5], $0x1800, s6, s5, $0x38;
	[tilespmem:$0xE100] =	vst v63  }
0xc3: {  	s29 =	spop (v2sf);
	s22 =	rddreg [dreg:$0x9];
	s24 =	sadd.s32 $0x92A00, s24  }
0xc4: {  	[tilespmem:s22], [sflag:$0x1] =	stream.linear.gather [hbm4b:s24+s2], $0x100, $0x38;
	[tilespmem:$0xE100] =	vst v63  }
0xc5: {  	s30 =	sand.u32 $0xFFFFF80, s29;
	s28 =	sadd.s32 s4, s28;
	s31 =	spop (v2sf)  }
0xc6: {  	[tilespmem:s12], [sflag:$0x1] =	stream.strided.gather [hbm4b:s28+s5], $0x1800, s6, s5, $0x38;
	[tilespmem:$0xE100] =	vst v63  }
0xc7: {  	s18 =	sand.u32 $0x7F, s29;
	s29 =	rddreg [dreg:$0xa];
	s28 =	sadd.s32 $0x92A00, s28  }
0xc8: {  	[tilespmem:s29], [sflag:$0x1] =	stream.linear.gather [hbm4b:s28+s2], $0x100, $0x38;
	[tilespmem:$0xE100] =	vst v63  }
0xc9: {  	s1 =	sand.u32 $0xFFFFF80, s31;
	s28 =	sadd.s32 s4, s30  }
0xca: {  	[tilespmem:s11], [sflag:$0x1] =	stream.strided.gather [hbm4b:s28+s5], $0x1800, s6, s5, $0x38;
	[tilespmem:$0xE100] =	vst v63  }
0xcb: {  	s22 =	sand.u32 $0x7F, s25;
	s29 =	rddreg [dreg:$0xb];
	s25 =	sadd.s32 $0x92A00, s28  }
0xcc: {  	[tilespmem:s29], [sflag:$0x1] =	stream.linear.gather [hbm4b:s25+s2], $0x100, $0x38;
	[tilespmem:$0xE100] =	vst v63  }
0xcd: {  	s19 =	spop (v2sf);
	s1 =	sadd.s32 s4, s1  }
0xce: {  	[tilespmem:s13], [sflag:$0x1] =	stream.strided.gather [hbm4b:s1+s5], $0x1800, s6, s5, $0x38;
	[tilespmem:$0xE100] =	vst v63  }
0xcf: {  	s0 =	sand.u32 $0xFFFFF80, s19;
	s30 =	rddreg [dreg:$0xc];
	s1 =	sadd.s32 $0x92A00, s1  }
0xd0: {  	[tilespmem:s30], [sflag:$0x1] =	stream.linear.gather [hbm4b:s1+s2], $0x100, $0x38;
	[tilespmem:$0xE100] =	vst v63  }
0xd1: {  	s0 =	sadd.s32 s4, s0;
	s24 =	sand.u32 $0x7F, s20  }
0xd2: {  	[tilespmem:s14], [sflag:$0x1] =	stream.strided.gather [hbm4b:s0+s5], $0x1800, s6, s5, $0x38;
	[tilespmem:$0xE100] =	vst v63  }
0xd3: {  	s20 =	sand.u32 $0x7F, s31;
	s31 =	rddreg [dreg:$0xd];
	s0 =	sadd.s32 $0x92A00, s0  }
0xd4: {  	[tilespmem:s31], [sflag:$0x1] =	stream.linear.gather [hbm4b:s0+s2], $0x100, $0x38;
	[tilespmem:$0xE100] =	vst v63  }
0xd5: {  	_ =	swait.ge [sflag:s15], $0x1900  }
0xd6: {  	[sflag:s15] =	ssyncset.done $0x0  }
0xd7: {  	[sflag:s15] =	ssyncadd.s32 $0xFFFFE700  }
0xd8: {  	_ =	swait.ge [sflag:s15], $0x1900  }
0xd9: {  	[sflag:s15] =	ssyncset.done $0x0  }
0xda: {  	[sflag:s15] =	ssyncadd.s32 $0xFFFFE700  }
0xdb: {  	_ =	swait.ge [sflag:s15], $0x1900  }
0xdc: {  	[sflag:s15] =	ssyncset.done $0x0  }
0xdd: {  	[sflag:s15] =	ssyncadd.s32 $0xFFFFE700  }
0xde: {  	_ =	swait.ge [sflag:s15], $0x1900  }
0xdf: {  	[sflag:s15] =	ssyncset.done $0x0  }
0xe0: {  	[sflag:s15] =	ssyncadd.s32 $0xFFFFE700  }
0xe1: {  	_ =	swait.ge [sflag:s15], $0x1900  }
0xe2: {  	[sflag:s15] =	ssyncset.done $0x0  }
0xe3: {  	[sflag:s15] =	ssyncadd.s32 $0xFFFFE700  }
0xe4: {  	_ =	swait.ge [sflag:s15], $0x1900  }
0xe5: {  	[sflag:s15] =	ssyncset.done $0x0  }
0xe6: {  	[sflag:s15] =	ssyncadd.s32 $0xFFFFE700  }
0xe7: {  	_ =	swait.ge [sflag:s15], $0x1900  }
0xe8: {  	v5 =	vor.u32 s24, v1;
	[sflag:s15] =	ssyncset.done $0x0  }
0xe9: {  	v6 =	vor.u32 s23, v1;
	[sflag:s15] =	ssyncadd.s32 $0xFFFFE700  }
0xea: {  	s21 =	sand.u32 $0x7F, s21;
	v7 =	vor.u32 s22, v1;
	_ =	swait.ge [sflag:s15], $0x1900  }
0xeb: {  	v8 =	vor.u32 s21, v1;
	s17 =	sand.u32 $0x7F, s19;
	s19 =	sand.u32 $0x7F, s26;
	[sflag:s15] =	ssyncset.done $0x0  }
0xec: {  	v9 =	vor.u32 s19, v1;
	[sflag:s15] =	ssyncadd.s32 $0xFFFFE700  }
0xed: {  	v10 =	vor.u32 s18, v1;
	v5 =	vld.idx.msk [tilespmem:v5+s7+$0x0], $0xffff  }
0xee: {  	v11 =	vor.u32 s23, v0;
	v12 =	vld.idx.msk [tilespmem:v6+s8+$0x0], $0xffff  }
0xef: {  	v15 =	vor.u32 s20, v1;
	v13 =	vld.idx.msk [tilespmem:v7+s9+$0x0], $0xffff  }
0xf0: {  	v7 =	vor.u32 s17, v1;
	v8 =	vld.idx.msk [tilespmem:v8+s10+$0x0], $0xffff  }
0xf1: {  	v14 =	vor.u32 s23, v2;
	v9 =	vld.idx.msk [tilespmem:v9+s12+$0x0], $0xffff  }
0xf2: {  	v16 =	vor.u32 s24, v3;
	v10 =	vld.idx.msk [tilespmem:v10+s11+$0x0], $0xffff  }
0xf3: {  	v17 =	vor.u32 s24, v0;
	v6 =	vld.idx.msk [tilespmem:v11+s8+$0x0], $0xffff  }
0xf4: {  	v18 =	vor.u32 s23, v3;
	v23 =	vld.idx.msk [tilespmem:v15+s13+$0x0], $0xffff;
	v5 =	vnsel vm8, $0x0, v5  }
0xf5: {  	v19 =	vor.u32 s24, v2;
	v11 =	vadd.f32 $0.0e+00, v5;
	v5 =	vld.idx.msk [tilespmem:v7+s14+$0x0], $0xffff  }
0xf6: {  	v12 =	vnsel vm8, $0x0, v12;
	v7 =	vld.idx.msk [tilespmem:v14+s8+$0x0], $0xffff;
	v14 =	vor.u32 s22, v3  }
0xf7: {  	v15 =	vld.idx.msk [tilespmem:v16+s7+$0x0], $0xffff;
	v16 =	vor.u32 s19, v0;
	v11 =	vadd.f32 v12, v11  }
0xf8: {  	v22 =	vor.u32 s21, v3;
	v21 =	vld.idx.msk [tilespmem:v17+s7+$0x0], $0xffff;
	v12 =	vnsel vm8, $0x0, v13  }
0xf9: {  	v63 =	vor.u32 s21, v0;
	v18 =	vld.idx.msk [tilespmem:v18+s8+$0x0], $0xffff;
	v11 =	vadd.f32 v12, v11  }
0xfa: {  	p0 =	sne.s32 s16, $0x1;
	v25 =	vor.u32 s19, v3;
	v8 =	vnsel vm8, $0x0, v8;
	v12 =	vld.idx.msk [tilespmem:v19+s7+$0x0], $0xffff  }
.Ltmp2:
0xfb: {  	v4 =	vor.u32 s17, v3;
	v20 =	vor.u32 s18, v3;
	v13 =	vld.idx.msk [tilespmem:v14+s9+$0x0], $0xffff;
	v11 =	vadd.f32 v8, v11;
	(pc) =	sbr.rel @p0 .LBB2_2-.Ltmp2, $4  }
0xfc: {  	v17 =	vor.u32 s22, v0;
	v9 =	vnsel vm8, $0x0, v9;
	v8 =	vld.idx.msk [tilespmem:v16+s12+$0x0], $0xffff;
	v16 =	vadd.f32 $0.0e+00, v15  }
0xfd: {  	v10 =	vnsel vm8, $0x0, v10;
	v19 =	vor.u32 s22, v2;
	v15 =	vld.idx.msk [tilespmem:v22+s10+$0x0], $0xffff;
	v9 =	vadd.f32 v9, v11  }
0xfe: {  	v14 =	vadd.f32 $0.0e+00, v21;
	v21 =	vor.u32 s20, v3;
	v11 =	vld.idx.msk [tilespmem:v63+s10+$0x0], $0xffff;
	v22 =	vadd.f32 v18, v16  }
0xff: {  	s16 =	sadd.s32 $0xFFFFFFFF, s16;
	v18 =	vor.u32 s21, v2;
	v16 =	vld.idx.msk [tilespmem:v25+s12+$0x0], $0xffff;
	v9 =	vadd.f32 v10, v9;
	v10 =	vnsel vm8, $0x0, v23  }
.LBB2_3:
0x100: {  	_ =	sdelay $0x3  }
0x101: {  	v1 =	vld.idx.msk [tilespmem:v17+s9+$0x0], $0xffff  }
0x102: {  	v3 =	vor.u32 s19, v2;
	v50 =	vld.idx.msk [tilespmem:v19+s9+$0x0], $0xffff  }
0x103: {  	v51 =	vld.idx.msk [tilespmem:v20+s11+$0x0], $0xffff;
	v23 =	vor.u32 s18, v0  }
0x104: {  	v52 =	vor.u32 s18, v2;
	v12 =	vadd.f32 $0.0e+00, v12;
	v18 =	vld.idx.msk [tilespmem:v18+s10+$0x0], $0xffff  }
0x105: {  	v21 =	vld.idx.msk [tilespmem:v21+s13+$0x0], $0xffff;
	v6 =	vadd.f32 v6, v14;
	v54 =	vor.u32 s20, v0  }
0x106: {  	v53 =	vor.u32 s20, v2;
	v4 =	vld.idx.msk [tilespmem:v4+s14+$0x0], $0xffff;
	v13 =	vadd.f32 v13, v22;
	v7 =	vadd.f32 v7, v12  }
0x107: {  	v56 =	vor.u32 s17, v0;
	v3 =	vld.idx.msk [tilespmem:v3+s12+$0x0], $0xffff;
	v1 =	vadd.f32 v1, v6  }
0x108: {  	v55 =	vor.u32 s17, v2;
	v13 =	vadd.f32 v15, v13;
	v7 =	vadd.f32 v50, v7;
	v58 =	vld.idx.msk [tilespmem:v23+s11+$0x0], $0xffff  }
0x109: {  	v57 =	vld.idx.msk [tilespmem:v52+s11+$0x0], $0xffff;
	v1 =	vadd.f32 v11, v1  }
0x10a: {  	v13 =	vadd.f32 v16, v13;
	v61 =	vld.idx.msk [tilespmem:v54+s13+$0x0], $0xffff;
	v7 =	vadd.f32 v18, v7  }
0x10b: {  	v59 =	vld.idx.msk [tilespmem:v53+s13+$0x0], $0xffff;
	v1 =	vadd.f32 v8, v1  }
0x10c: {  	v0 =	vld.idx.msk [tilespmem:v56+s14+$0x0], $0xffff;
	v60 =	vadd.f32 v51, v13;
	v3 =	vadd.f32 v3, v7  }
0x10d: {  	v63 =	vadd.f32 v10, v9;
	v2 =	vld.idx.msk [tilespmem:v55+s14+$0x0], $0xffff;
	v1 =	vadd.f32 v58, v1  }
0x10e: {  	v5 =	vnsel vm8, $0x0, v5;
	v62 =	vadd.f32 v21, v60;
	v3 =	vadd.f32 v57, v3  }
0x10f: {  	v5 =	vadd.f32 v5, v63;
	v1 =	vadd.f32 v61, v1  }
0x110: {  	v4 =	vadd.f32 v4, v62;
	v3 =	vadd.f32 v59, v3  }
0x111: {  	[tilespmem:$0xE0B0] =	vst v5;
	v0 =	vadd.f32 v0, v1  }
0x112: {  	[tilespmem:$0xE080] =	vst v4;
	v2 =	vadd.f32 v2, v3  }
0x113: {  	s0 =	rddreg [dreg:$0xe];
	[tilespmem:$0xE0A0] =	vst v0  }
0x114: {  	s1 =	rddreg [dreg:$0x4];
	[tilespmem:$0xE090] =	vst v2  }
0x115: {  	[hbm4b:s1+s2] =	stream.linear.scatter [tilespmem:s0], [sflag:$0x2], $0x80, $0x38;
	[tilespmem:$0xE100] =	vst v63  }
0x116: {  	_ =	swait.ge [sflag:s3], $0x80  }
0x117: {  	[sflag:s3] =	ssyncset.done $0x0  }
0x118: {  	[sflag:s3] =	ssyncadd.s32 $0xFFFFFF80  }
0x119: {  	s0 =	stileid.u32;
	s1 =	rddreg [dreg:$0x3]  }
.LBB2_4:
0x11a: {  	_ =	sfence.sel $0x180000  }
0x11b: {  	[bflag:$0x0] =	sbarrier.arrive $0xFFFF  }
0x11c: {  	p0 =	sne.s32 s0, $0x0;
	_ =	strace $0x90000047  }
0x11d: {  	s0 =	sadd.s32 @!p0 $0x100000, s1;
	[bflag:$0x2] =	sbarrier.arrive $0xFFFF  }
0x11e: {  	[sflag:s0] =	ssyncadd.tile.s32 @!p0 $0x1;
	_ =	shalt  }
.Lfunc_end2:
_tile_overlayer_lowered:
.L_overlay_start_2:
0x11f: {  	(tag) =	ssettag $0x2  }
0x120: {  	s0 =	rddreg [dreg:$0x0];
	s2 =	stileid.u32  }
0x121: {  	s1 =	rddreg [dreg:$0x1];
	p0 =	sne.s32 s2, $0x0  }
0x122: {  	s3 =	rddreg [dreg:$0x2];
	[bflag:$0x3] =	sbarrier.arrive $0xFFFF;
	s2 =	simm.s32 @!p0 $0x1C02  }
0x123: {  	[timem:s3], [sflag:s2] =	dma.local @!p0 [hbm:s0], s1  }
0x124: {  	s0 =	simm.s32 @!p0 $0x2  }
0x125: {  	_ =	swait.ge @!p0 [sflag:s0], s1  }
0x126: {  	s1 =	ssub.s32 @!p0 $0x0, s1;
	[sflag:s0] =	ssyncset.done @!p0 $0x0  }
0x127: {  	[sflag:s0] =	ssyncadd.s32 @!p0 s1  }
0x128: {  	[bflag:$0x3] =	sbarrier.arrive $0xFFFF  }
0x129: {  	_ =	shalt  }

</sc_bundles>
